<compile_context>
chip_gen: v7x
topology: tpu7x:2x2x1
jax: 0.10.2.dev20260603
libtpu: 0.0.44.dev20260713+nightly
codegen_flags: <defaults>
</compile_context>

<pallas_src>
import functools

import jax
import jax.numpy as jnp
from jax import lax
from jax.experimental import pallas as pl
from jax.experimental.pallas import tpu as pltpu
from jax.experimental.pallas import tpu_sc as plsc

N = 10000
D = 128
E = 320000
NC = 2
NS = 16
NW = NC * NS
C = 128
CH = 80
EPW = C * CH
EPAD = NW * EPW
NPAD = 10240
ZR = NPAD // NS
TCR = 1024
TCG = NPAD // TCR

_mesh = plsc.VectorSubcoreMesh(core_axis_name="c", subcore_axis_name="s")


@functools.partial(
    pl.kernel,
    out_type=jax.ShapeDtypeStruct((NC, NPAD), jnp.float32),
    mesh=_mesh,
    scratch_types=[
        pltpu.VMEM((CH, C), jnp.int32),
        pltpu.VMEM((C,), jnp.float32),
        pltpu.VMEM_SHARED((NPAD,), jnp.float32),
    ],
)
def _deg_kernel(dst_hbm, ones_hbm, zeros_hbm, out_hbm, dst_v, ones_v, acc):
    c = lax.axis_index("c")
    s = lax.axis_index("s")
    wid = c * NS + s
    pltpu.sync_copy(dst_hbm.at[wid], dst_v)
    pltpu.sync_copy(ones_hbm, ones_v)
    pltpu.sync_copy(zeros_hbm, acc.at[pl.ds(s * ZR, ZR)])
    plsc.subcore_barrier()

    def body(j, carry):
        pltpu.sync_copy(ones_v, acc.at[dst_v.at[j]], add=True)
        return carry

    lax.fori_loop(0, CH, body, 0)
    plsc.subcore_barrier()

    @pl.when(s == 0)
    def _():
        pltpu.sync_copy(acc, out_hbm.at[c])


@functools.partial(
    pl.kernel,
    out_type=jax.ShapeDtypeStruct((NC, NPAD, D), jnp.float32),
    mesh=_mesh,
    scratch_types=[
        pltpu.VMEM((CH, C), jnp.int32),
        pltpu.VMEM((CH, C), jnp.int32),
        pltpu.VMEM((C, D), jnp.float32),
        pltpu.VMEM_SHARED((NPAD, D), jnp.float32),
        pltpu.SemaphoreType.DMA,
    ],
)
def _rows_kernel(y_hbm, src_hbm, dst_hbm, zrows_hbm, out_hbm,
                 src_v, dst_v, rows_v, acc, sem):
    c = lax.axis_index("c")
    s = lax.axis_index("s")
    wid = c * NS + s
    pltpu.sync_copy(src_hbm.at[wid], src_v)
    pltpu.sync_copy(dst_hbm.at[wid], dst_v)
    pltpu.sync_copy(zrows_hbm, acc.at[pl.ds(s * ZR, ZR)])
    plsc.subcore_barrier()

    def body(j, carry):
        pltpu.async_copy(y_hbm.at[src_v.at[j]], rows_v, sem).wait()
        pltpu.sync_copy(rows_v, acc.at[dst_v.at[j]], add=True)
        return carry

    lax.fori_loop(0, CH, body, 0)
    plsc.subcore_barrier()
    pltpu.sync_copy(acc.at[pl.ds(s * ZR, ZR)], out_hbm.at[c, pl.ds(s * ZR, ZR)])


def _dinv_block(degp):
    return lax.rsqrt(degp[0] + degp[1] + 1.0)


def _tc1_body(x_ref, wt_ref, degp_ref, y_ref):
    dinv = _dinv_block(degp_ref[...])
    y_ref[...] = jnp.dot(x_ref[...], wt_ref[...],
                         preferred_element_type=jnp.float32) * dinv


def _tc2_body(s_ref, y1_ref, wt_ref, degp_ref, b_ref, y2_ref):
    dinv = _dinv_block(degp_ref[...])
    sp = s_ref[...]
    h = (sp[0] + sp[1] + y1_ref[...]) * dinv + b_ref[...]
    y2_ref[...] = jnp.dot(h, wt_ref[...],
                          preferred_element_type=jnp.float32) * dinv


def _tc3_body(s_ref, y2_ref, degp_ref, b_ref, out_ref):
    dinv = _dinv_block(degp_ref[...])
    sp = s_ref[...]
    out_ref[...] = (sp[0] + sp[1] + y2_ref[...]) * dinv + b_ref[...]


_spec_rows = pl.BlockSpec((TCR, D), lambda i: (i, 0))
_spec_w = pl.BlockSpec((D, D), lambda i: (0, 0))
_spec_deg = pl.BlockSpec((NC, TCR, 1), lambda i: (0, i, 0))
_spec_part = pl.BlockSpec((NC, TCR, D), lambda i: (0, i, 0))
_spec_b = pl.BlockSpec((1, D), lambda i: (0, 0))
_out_rows = jax.ShapeDtypeStruct((NPAD, D), jnp.float32)


def kernel(in_feat, g, W, b):
    src = g[0].astype(jnp.int32)
    dst = g[1].astype(jnp.int32)
    pad = EPAD - E
    psrc = jnp.arange(pad, dtype=jnp.int32) % N
    src_p = jnp.concatenate([src, psrc]).reshape(NW, CH, C)
    trash = N + (jnp.arange(pad, dtype=jnp.int32) % (NPAD - N))
    dst_p = jnp.concatenate([dst, trash]).reshape(NW, CH, C)
    x_p = jnp.pad(in_feat, ((0, NPAD - N), (0, 0)))
    Wt = W.T
    b2 = b.reshape(1, D)
    ones_c = jnp.ones((C,), jnp.float32)
    zeros_z = jnp.zeros((ZR,), jnp.float32)
    zrows = jnp.zeros((ZR, D), jnp.float32)

    degp = _deg_kernel(dst_p, ones_c, zeros_z)
    degp3 = degp.reshape(NC, NPAD, 1)

    y1 = pl.pallas_call(
        _tc1_body,
        grid=(TCG,),
        in_specs=[_spec_rows, _spec_w, _spec_deg],
        out_specs=_spec_rows,
        out_shape=_out_rows,
    )(x_p, Wt, degp3)

    s1 = _rows_kernel(y1, src_p, dst_p, zrows)

    y2 = pl.pallas_call(
        _tc2_body,
        grid=(TCG,),
        in_specs=[_spec_part, _spec_rows, _spec_w, _spec_deg, _spec_b],
        out_specs=_spec_rows,
        out_shape=_out_rows,
    )(s1, y1, Wt, degp3, b2)

    s2 = _rows_kernel(y2, src_p, dst_p, zrows)

    out = pl.pallas_call(
        _tc3_body,
        grid=(TCG,),
        in_specs=[_spec_part, _spec_rows, _spec_deg, _spec_b],
        out_specs=_spec_rows,
        out_shape=_out_rows,
    )(s2, y2, degp3, b2)

    return out[:N]

# --- scband reference (transcript-rebuilt; emitter-appended) ---
"""Pipeline reference for scband-gcn-56521769616159 (READ-ONLY COPY).

The authoritative reference and input builder live on the scoring server;
editing this copy changes nothing except your own understanding.
"""

import jax, jax.numpy as jnp
import numpy as np

N_NODES = 10000
N_EDGES = 320000
D = 128
PROP_STEP = 2


def setup_inputs(seed: int = 0) -> dict:
    key = jax.random.key(seed)
    k1, k2, k3 = jax.random.split(key, 3)
    in_feat = jax.random.normal(k1, (N_NODES, D), dtype=jnp.float32)
    g = jax.random.randint(k2, (2, N_EDGES), 0, N_NODES, dtype=jnp.int64)
    # GCNConv weight (glorot) and bias (zeros)
    limit = float(np.sqrt(6.0 / (D + D)))
    W = jax.random.uniform(k3, (D, D), dtype=jnp.float32, minval=-limit, maxval=limit)
    b = jnp.zeros((D,), dtype=jnp.float32)
    return {"in_feat": in_feat, "g": g, "W": W, "b": b}


def _gcn_conv(x, src, dst, W, b, n):
    # x' = x @ W^T
    xw = x @ W.T
    deg = jax.ops.segment_sum(jnp.ones_like(dst, dtype=x.dtype), dst, num_segments=n)
    dinv = jnp.where(deg > 0, jax.lax.rsqrt(deg), 0.0)
    norm = dinv[src] * dinv[dst]
    msg = xw[src] * norm[:, None]
    out = jax.ops.segment_sum(msg, dst, num_segments=n)
    return out + b


def reference(in_feat, g, W, b):
    n = in_feat.shape[0]
    loop = jnp.arange(n, dtype=g.dtype)
    src = jnp.concatenate([g[0], loop])
    dst = jnp.concatenate([g[1], loop])
    # lin is Identity since in_feats == h_feats; norm/relu/res disabled
    h = in_feat
    for _ in range(PROP_STEP):
        h = _gcn_conv(h, src, dst, W, b, n)
    return h

if __name__ == "__main__":
    import jax
    _d = setup_inputs()
    print(jax.jit(kernel)(*tuple(_d.values())))

</pallas_src>

<mosaic_0001>
#map = affine_map<(d0, d1) -> (0, 0, 0)>
#map1 = affine_map<(d0, d1) -> (0)>
#map2 = affine_map<(d0, d1) -> (0, 0)>
module attributes {stable_mosaic.version = 14 : i64} {
  func.func @_deg_kernel(%arg0: i32, %arg1: i32, %arg2: memref<32x80x128xi32, #tpu.memory_space<hbm>>, %arg3: memref<128xf32, #tpu.memory_space<hbm>>, %arg4: memref<640xf32, #tpu.memory_space<hbm>>, %arg5: memref<2x10240xf32, #tpu.memory_space<hbm>>, %arg6: memref<80x128xi32, #tpu.memory_space<vmem>>, %arg7: memref<128xf32, #tpu.memory_space<vmem>>, %arg8: memref<10240xf32, #tpu.memory_space<vmem_shared>>) attributes {dimension_semantics = [#tpu.dimension_semantics<core_parallel>, #tpu.dimension_semantics<subcore_parallel>], iteration_bounds = array<i64: 2, 16>, scalar_prefetch = 0 : i64, scratch_operands = 3 : i64, tpu.core_type = #tpu.core_type<sc_vector_subcore>, window_params = [{transform_indices = #map}, {transform_indices = #map1}, {transform_indices = #map1}, {transform_indices = #map2}]} {
    %mul3A = arith.constant 16 : i32
    %mul3A_0 = arith.muli %arg0, %mul3A : i32
    %add3A = arith.addi %mul3A_0, %arg1 : i32
    "tpu.region"() ({
      %run_scoped3A = tpu.sem_alloc : memref<!tpu.dma_semaphore, #tpu.memory_space<semaphore_mem>>
      %dma_start3A = arith.constant 0 : i32
      %dma_start3A_11 = arith.constant 0 : i32
      %dma_start3A_12 = tpu.memref_slice %arg2[%add3A, %dma_start3A, %dma_start3A_11] : memref<32x80x128xi32, #tpu.memory_space<hbm>> -> memref<1x80x128xi32, #tpu.memory_space<hbm>>
      %dma_start3A_13 = tpu.memref_squeeze %dma_start3A_12 : memref<1x80x128xi32, #tpu.memory_space<hbm>> -> memref<80x128xi32, #tpu.memory_space<hbm>>
      %dma_start3A_14 = arith.constant 0 : i32
      %dma_start3A_15 = arith.constant 0 : i32
      %dma_start3A_16 = tpu.memref_slice %arg2[%add3A, %dma_start3A_14, %dma_start3A_15] : memref<32x80x128xi32, #tpu.memory_space<hbm>> -> memref<1x80x128xi32, #tpu.memory_space<hbm>>
      %dma_start3A_17 = tpu.memref_squeeze %dma_start3A_16 : memref<1x80x128xi32, #tpu.memory_space<hbm>> -> memref<80x128xi32, #tpu.memory_space<hbm>>
      tpu.enqueue_dma source(%dma_start3A_17 : memref<80x128xi32, #tpu.memory_space<hbm>>) target(%arg6 : memref<80x128xi32, #tpu.memory_space<vmem>>) target_semaphore(%run_scoped3A : memref<!tpu.dma_semaphore, #tpu.memory_space<semaphore_mem>>)
      %dma_wait3A = arith.constant 0 : i32
      %dma_wait3A_18 = arith.constant 0 : i32
      %dma_wait3A_19 = tpu.memref_slice %arg2[%add3A, %dma_wait3A, %dma_wait3A_18] : memref<32x80x128xi32, #tpu.memory_space<hbm>> -> memref<1x80x128xi32, #tpu.memory_space<hbm>>
      %dma_wait3A_20 = tpu.memref_squeeze %dma_wait3A_19 : memref<1x80x128xi32, #tpu.memory_space<hbm>> -> memref<80x128xi32, #tpu.memory_space<hbm>>
      %dma_wait3A_21 = arith.constant 0 : i32
      %dma_wait3A_22 = arith.constant 0 : i32
      %dma_wait3A_23 = tpu.memref_slice %arg2[%add3A, %dma_wait3A_21, %dma_wait3A_22] : memref<32x80x128xi32, #tpu.memory_space<hbm>> -> memref<1x80x128xi32, #tpu.memory_space<hbm>>
      %dma_wait3A_24 = tpu.memref_squeeze %dma_wait3A_23 : memref<1x80x128xi32, #tpu.memory_space<hbm>> -> memref<80x128xi32, #tpu.memory_space<hbm>>
      tpu.wait_dma2 semaphore(%run_scoped3A : memref<!tpu.dma_semaphore, #tpu.memory_space<semaphore_mem>>) src(%dma_wait3A_24 : memref<80x128xi32, #tpu.memory_space<hbm>>) dst(%arg6 : memref<80x128xi32, #tpu.memory_space<vmem>>)
      tpu.yield
    }) : () -> ()
    "tpu.region"() ({
      %run_scoped3A = tpu.sem_alloc : memref<!tpu.dma_semaphore, #tpu.memory_space<semaphore_mem>>
      tpu.enqueue_dma source(%arg3 : memref<128xf32, #tpu.memory_space<hbm>>) target(%arg7 : memref<128xf32, #tpu.memory_space<vmem>>) target_semaphore(%run_scoped3A : memref<!tpu.dma_semaphore, #tpu.memory_space<semaphore_mem>>)
      tpu.wait_dma2 semaphore(%run_scoped3A : memref<!tpu.dma_semaphore, #tpu.memory_space<semaphore_mem>>) src(%arg3 : memref<128xf32, #tpu.memory_space<hbm>>) dst(%arg7 : memref<128xf32, #tpu.memory_space<vmem>>)
      tpu.yield
    }) : () -> ()
    %mul3A_1 = arith.constant 640 : i32
    %mul3A_2 = arith.muli %arg1, %mul3A_1 : i32
    "tpu.region"() ({
      %run_scoped3A = tpu.sem_alloc : memref<!tpu.dma_semaphore, #tpu.memory_space<semaphore_mem>>
      %dma_start3A = tpu.memref_slice %arg8[%mul3A_2] : memref<10240xf32, #tpu.memory_space<vmem_shared>> -> memref<640xf32, #tpu.memory_space<vmem_shared>>
      tpu.enqueue_dma source(%arg4 : memref<640xf32, #tpu.memory_space<hbm>>) target(%dma_start3A : memref<640xf32, #tpu.memory_space<vmem_shared>>) target_semaphore(%run_scoped3A : memref<!tpu.dma_semaphore, #tpu.memory_space<semaphore_mem>>)
      %dma_wait3A = tpu.memref_slice %arg8[%mul3A_2] : memref<10240xf32, #tpu.memory_space<vmem_shared>> -> memref<640xf32, #tpu.memory_space<vmem_shared>>
      tpu.wait_dma2 semaphore(%run_scoped3A : memref<!tpu.dma_semaphore, #tpu.memory_space<semaphore_mem>>) src(%arg4 : memref<640xf32, #tpu.memory_space<hbm>>) dst(%dma_wait3A : memref<640xf32, #tpu.memory_space<vmem_shared>>)
      tpu.yield
    }) : () -> ()
    %barrier3A = arith.constant 0 : index
    tpu.barrier barrier_id(%barrier3A)
    %scan3A = arith.constant 0 : i32
    %scan3A_3 = arith.constant 0 : i32
    %scan3A_4 = arith.constant 80 : i32
    %scan3A_5 = arith.addi %scan3A_3, %scan3A_4 : i32
    %scan3A_6 = arith.constant 1 : i32
    scf.for %scan3A_11 = %scan3A_3 to %scan3A_5 step %scan3A_6  : i32 {
      "tpu.region"() ({
        %run_scoped3A = tpu.sem_alloc : memref<!tpu.dma_semaphore, #tpu.memory_space<semaphore_mem>>
        %dma_start3A = arith.constant 0 : i32
        %dma_start3A_12 = tpu.memref_slice %arg6[%scan3A_11, %dma_start3A] : memref<80x128xi32, #tpu.memory_space<vmem>> -> memref<1x128xi32, #tpu.memory_space<vmem>>
        %dma_start3A_13 = tpu.memref_squeeze %dma_start3A_12 : memref<1x128xi32, #tpu.memory_space<vmem>> -> memref<128xi32, #tpu.memory_space<vmem>>
        %dma_start3A_14 = arith.constant 0 : i32
        %dma_start3A_15 = tpu.memref_slice %arg8[%dma_start3A_14] : memref<10240xf32, #tpu.memory_space<vmem_shared>> -> memref<10240xf32, #tpu.memory_space<vmem_shared>>
        tpu.enqueue_indirect_dma source(%arg7 : memref<128xf32, #tpu.memory_space<vmem>>) target(%dma_start3A_15 : memref<10240xf32, #tpu.memory_space<vmem_shared>>) offsets(%dma_start3A_13 : memref<128xi32, #tpu.memory_space<vmem>>) semaphore(%run_scoped3A : memref<!tpu.dma_semaphore, #tpu.memory_space<semaphore_mem>>) {add = true}
        %dma_wait3A = arith.constant 0 : i32
        %dma_wait3A_16 = tpu.memref_slice %arg6[%scan3A_11, %dma_wait3A] : memref<80x128xi32, #tpu.memory_space<vmem>> -> memref<1x128xi32, #tpu.memory_space<vmem>>
        %dma_wait3A_17 = tpu.memref_squeeze %dma_wait3A_16 : memref<1x128xi32, #tpu.memory_space<vmem>> -> memref<128xi32, #tpu.memory_space<vmem>>
        %dma_wait3A_18 = arith.constant 0 : i32
        %dma_wait3A_19 = tpu.memref_slice %arg8[%dma_wait3A_18] : memref<10240xf32, #tpu.memory_space<vmem_shared>> -> memref<10240xf32, #tpu.memory_space<vmem_shared>>
        tpu.wait_indirect_dma semaphore(%run_scoped3A : memref<!tpu.dma_semaphore, #tpu.memory_space<semaphore_mem>>) src(%arg7 : memref<128xf32, #tpu.memory_space<vmem>>) dst(%dma_wait3A_19 : memref<10240xf32, #tpu.memory_space<vmem_shared>>)
        tpu.yield
      }) : () -> ()
    }
    %scan3A_7 = arith.constant 80 : i32
    %barrier3A_8 = arith.constant 0 : index
    tpu.barrier barrier_id(%barrier3A_8)
    %eq3A = arith.constant 0 : i32
    %eq3A_9 = arith.cmpi eq, %arg1, %eq3A : i32
    %convert_element_type3A = arith.extui %eq3A_9 : i1 to i32
    %cond3A = arith.constant 0 : i32
    %cond3A_10 = arith.cmpi ne, %convert_element_type3A, %cond3A : i32
    scf.if %cond3A_10 {
      "tpu.region"() ({
        %run_scoped3A = tpu.sem_alloc : memref<!tpu.dma_semaphore, #tpu.memory_space<semaphore_mem>>
        %dma_start3A = arith.constant 0 : i32
        %dma_start3A_11 = tpu.memref_slice %arg5[%arg0, %dma_start3A] : memref<2x10240xf32, #tpu.memory_space<hbm>> -> memref<1x10240xf32, #tpu.memory_space<hbm>>
        %dma_start3A_12 = tpu.memref_squeeze %dma_start3A_11 : memref<1x10240xf32, #tpu.memory_space<hbm>> -> memref<10240xf32, #tpu.memory_space<hbm>>
        tpu.enqueue_dma source(%arg8 : memref<10240xf32, #tpu.memory_space<vmem_shared>>) target(%dma_start3A_12 : memref<10240xf32, #tpu.memory_space<hbm>>) target_semaphore(%run_scoped3A : memref<!tpu.dma_semaphore, #tpu.memory_space<semaphore_mem>>)
        %dma_wait3A = arith.constant 0 : i32
        %dma_wait3A_13 = tpu.memref_slice %arg5[%arg0, %dma_wait3A] : memref<2x10240xf32, #tpu.memory_space<hbm>> -> memref<1x10240xf32, #tpu.memory_space<hbm>>
        %dma_wait3A_14 = tpu.memref_squeeze %dma_wait3A_13 : memref<1x10240xf32, #tpu.memory_space<hbm>> -> memref<10240xf32, #tpu.memory_space<hbm>>
        tpu.wait_dma2 semaphore(%run_scoped3A : memref<!tpu.dma_semaphore, #tpu.memory_space<semaphore_mem>>) src(%arg8 : memref<10240xf32, #tpu.memory_space<vmem_shared>>) dst(%dma_wait3A_14 : memref<10240xf32, #tpu.memory_space<hbm>>)
        tpu.yield
      }) : () -> ()
    } else {
    }
    return
  }
}

#map = affine_map<(d0, d1) -> (0, 0)>
#map1 = affine_map<(d0, d1) -> (0, 0, 0)>
module attributes {stable_mosaic.version = 14 : i64} {
  func.func @_rows_kernel(%arg0: i32, %arg1: i32, %arg2: memref<10240x128xf32, #tpu.memory_space<hbm>>, %arg3: memref<32x80x128xi32, #tpu.memory_space<hbm>>, %arg4: memref<32x80x128xi32, #tpu.memory_space<hbm>>, %arg5: memref<640x128xf32, #tpu.memory_space<hbm>>, %arg6: memref<2x10240x128xf32, #tpu.memory_space<hbm>>, %arg7: memref<80x128xi32, #tpu.memory_space<vmem>>, %arg8: memref<80x128xi32, #tpu.memory_space<vmem>>, %arg9: memref<128x128xf32, #tpu.memory_space<vmem>>, %arg10: memref<10240x128xf32, #tpu.memory_space<vmem_shared>>, %arg11: memref<!tpu.dma_semaphore, #tpu.memory_space<semaphore_mem>>) attributes {dimension_semantics = [#tpu.dimension_semantics<core_parallel>, #tpu.dimension_semantics<subcore_parallel>], iteration_bounds = array<i64: 2, 16>, scalar_prefetch = 0 : i64, scratch_operands = 5 : i64, tpu.core_type = #tpu.core_type<sc_vector_subcore>, window_params = [{transform_indices = #map}, {transform_indices = #map1}, {transform_indices = #map1}, {transform_indices = #map}, {transform_indices = #map1}]} {
    %mul3A = arith.constant 16 : i32
    %mul3A_0 = arith.muli %arg0, %mul3A : i32
    %add3A = arith.addi %mul3A_0, %arg1 : i32
    "tpu.region"() ({
      %run_scoped3A = tpu.sem_alloc : memref<!tpu.dma_semaphore, #tpu.memory_space<semaphore_mem>>
      %dma_start3A = arith.constant 0 : i32
      %dma_start3A_13 = arith.constant 0 : i32
      %dma_start3A_14 = tpu.memref_slice %arg3[%add3A, %dma_start3A, %dma_start3A_13] : memref<32x80x128xi32, #tpu.memory_space<hbm>> -> memref<1x80x128xi32, #tpu.memory_space<hbm>>
      %dma_start3A_15 = tpu.memref_squeeze %dma_start3A_14 : memref<1x80x128xi32, #tpu.memory_space<hbm>> -> memref<80x128xi32, #tpu.memory_space<hbm>>
      %dma_start3A_16 = arith.constant 0 : i32
      %dma_start3A_17 = arith.constant 0 : i32
      %dma_start3A_18 = tpu.memref_slice %arg3[%add3A, %dma_start3A_16, %dma_start3A_17] : memref<32x80x128xi32, #tpu.memory_space<hbm>> -> memref<1x80x128xi32, #tpu.memory_space<hbm>>
      %dma_start3A_19 = tpu.memref_squeeze %dma_start3A_18 : memref<1x80x128xi32, #tpu.memory_space<hbm>> -> memref<80x128xi32, #tpu.memory_space<hbm>>
      tpu.enqueue_dma source(%dma_start3A_19 : memref<80x128xi32, #tpu.memory_space<hbm>>) target(%arg7 : memref<80x128xi32, #tpu.memory_space<vmem>>) target_semaphore(%run_scoped3A : memref<!tpu.dma_semaphore, #tpu.memory_space<semaphore_mem>>)
      %dma_wait3A = arith.constant 0 : i32
      %dma_wait3A_20 = arith.constant 0 : i32
      %dma_wait3A_21 = tpu.memref_slice %arg3[%add3A, %dma_wait3A, %dma_wait3A_20] : memref<32x80x128xi32, #tpu.memory_space<hbm>> -> memref<1x80x128xi32, #tpu.memory_space<hbm>>
      %dma_wait3A_22 = tpu.memref_squeeze %dma_wait3A_21 : memref<1x80x128xi32, #tpu.memory_space<hbm>> -> memref<80x128xi32, #tpu.memory_space<hbm>>
      %dma_wait3A_23 = arith.constant 0 : i32
      %dma_wait3A_24 = arith.constant 0 : i32
      %dma_wait3A_25 = tpu.memref_slice %arg3[%add3A, %dma_wait3A_23, %dma_wait3A_24] : memref<32x80x128xi32, #tpu.memory_space<hbm>> -> memref<1x80x128xi32, #tpu.memory_space<hbm>>
      %dma_wait3A_26 = tpu.memref_squeeze %dma_wait3A_25 : memref<1x80x128xi32, #tpu.memory_space<hbm>> -> memref<80x128xi32, #tpu.memory_space<hbm>>
      tpu.wait_dma2 semaphore(%run_scoped3A : memref<!tpu.dma_semaphore, #tpu.memory_space<semaphore_mem>>) src(%dma_wait3A_26 : memref<80x128xi32, #tpu.memory_space<hbm>>) dst(%arg7 : memref<80x128xi32, #tpu.memory_space<vmem>>)
      tpu.yield
    }) : () -> ()
    "tpu.region"() ({
      %run_scoped3A = tpu.sem_alloc : memref<!tpu.dma_semaphore, #tpu.memory_space<semaphore_mem>>
      %dma_start3A = arith.constant 0 : i32
      %dma_start3A_13 = arith.constant 0 : i32
      %dma_start3A_14 = tpu.memref_slice %arg4[%add3A, %dma_start3A, %dma_start3A_13] : memref<32x80x128xi32, #tpu.memory_space<hbm>> -> memref<1x80x128xi32, #tpu.memory_space<hbm>>
      %dma_start3A_15 = tpu.memref_squeeze %dma_start3A_14 : memref<1x80x128xi32, #tpu.memory_space<hbm>> -> memref<80x128xi32, #tpu.memory_space<hbm>>
      %dma_start3A_16 = arith.constant 0 : i32
      %dma_start3A_17 = arith.constant 0 : i32
      %dma_start3A_18 = tpu.memref_slice %arg4[%add3A, %dma_start3A_16, %dma_start3A_17] : memref<32x80x128xi32, #tpu.memory_space<hbm>> -> memref<1x80x128xi32, #tpu.memory_space<hbm>>
      %dma_start3A_19 = tpu.memref_squeeze %dma_start3A_18 : memref<1x80x128xi32, #tpu.memory_space<hbm>> -> memref<80x128xi32, #tpu.memory_space<hbm>>
      tpu.enqueue_dma source(%dma_start3A_19 : memref<80x128xi32, #tpu.memory_space<hbm>>) target(%arg8 : memref<80x128xi32, #tpu.memory_space<vmem>>) target_semaphore(%run_scoped3A : memref<!tpu.dma_semaphore, #tpu.memory_space<semaphore_mem>>)
      %dma_wait3A = arith.constant 0 : i32
      %dma_wait3A_20 = arith.constant 0 : i32
      %dma_wait3A_21 = tpu.memref_slice %arg4[%add3A, %dma_wait3A, %dma_wait3A_20] : memref<32x80x128xi32, #tpu.memory_space<hbm>> -> memref<1x80x128xi32, #tpu.memory_space<hbm>>
      %dma_wait3A_22 = tpu.memref_squeeze %dma_wait3A_21 : memref<1x80x128xi32, #tpu.memory_space<hbm>> -> memref<80x128xi32, #tpu.memory_space<hbm>>
      %dma_wait3A_23 = arith.constant 0 : i32
      %dma_wait3A_24 = arith.constant 0 : i32
      %dma_wait3A_25 = tpu.memref_slice %arg4[%add3A, %dma_wait3A_23, %dma_wait3A_24] : memref<32x80x128xi32, #tpu.memory_space<hbm>> -> memref<1x80x128xi32, #tpu.memory_space<hbm>>
      %dma_wait3A_26 = tpu.memref_squeeze %dma_wait3A_25 : memref<1x80x128xi32, #tpu.memory_space<hbm>> -> memref<80x128xi32, #tpu.memory_space<hbm>>
      tpu.wait_dma2 semaphore(%run_scoped3A : memref<!tpu.dma_semaphore, #tpu.memory_space<semaphore_mem>>) src(%dma_wait3A_26 : memref<80x128xi32, #tpu.memory_space<hbm>>) dst(%arg8 : memref<80x128xi32, #tpu.memory_space<vmem>>)
      tpu.yield
    }) : () -> ()
    %mul3A_1 = arith.constant 640 : i32
    %mul3A_2 = arith.muli %arg1, %mul3A_1 : i32
    "tpu.region"() ({
      %run_scoped3A = tpu.sem_alloc : memref<!tpu.dma_semaphore, #tpu.memory_space<semaphore_mem>>
      %dma_start3A = arith.constant 0 : i32
      %dma_start3A_13 = tpu.memref_slice %arg10[%mul3A_2, %dma_start3A] : memref<10240x128xf32, #tpu.memory_space<vmem_shared>> -> memref<640x128xf32, #tpu.memory_space<vmem_shared>>
      tpu.enqueue_dma source(%arg5 : memref<640x128xf32, #tpu.memory_space<hbm>>) target(%dma_start3A_13 : memref<640x128xf32, #tpu.memory_space<vmem_shared>>) target_semaphore(%run_scoped3A : memref<!tpu.dma_semaphore, #tpu.memory_space<semaphore_mem>>)
      %dma_wait3A = arith.constant 0 : i32
      %dma_wait3A_14 = tpu.memref_slice %arg10[%mul3A_2, %dma_wait3A] : memref<10240x128xf32, #tpu.memory_space<vmem_shared>> -> memref<640x128xf32, #tpu.memory_space<vmem_shared>>
      tpu.wait_dma2 semaphore(%run_scoped3A : memref<!tpu.dma_semaphore, #tpu.memory_space<semaphore_mem>>) src(%arg5 : memref<640x128xf32, #tpu.memory_space<hbm>>) dst(%dma_wait3A_14 : memref<640x128xf32, #tpu.memory_space<vmem_shared>>)
      tpu.yield
    }) : () -> ()
    %barrier3A = arith.constant 0 : index
    tpu.barrier barrier_id(%barrier3A)
    %scan3A = arith.constant 0 : i32
    %scan3A_3 = arith.constant 0 : i32
    %scan3A_4 = arith.constant 80 : i32
    %scan3A_5 = arith.addi %scan3A_3, %scan3A_4 : i32
    %scan3A_6 = arith.constant 1 : i32
    scf.for %scan3A_13 = %scan3A_3 to %scan3A_5 step %scan3A_6  : i32 {
      %dma_start3A = arith.constant 0 : i32
      %dma_start3A_14 = tpu.memref_slice %arg7[%scan3A_13, %dma_start3A] : memref<80x128xi32, #tpu.memory_space<vmem>> -> memref<1x128xi32, #tpu.memory_space<vmem>>
      %dma_start3A_15 = tpu.memref_squeeze %dma_start3A_14 : memref<1x128xi32, #tpu.memory_space<vmem>> -> memref<128xi32, #tpu.memory_space<vmem>>
      %dma_start3A_16 = arith.constant 0 : i32
      %dma_start3A_17 = arith.constant 0 : i32
      %dma_start3A_18 = tpu.memref_slice %arg2[%dma_start3A_16, %dma_start3A_17] : memref<10240x128xf32, #tpu.memory_space<hbm>> -> memref<10240x128xf32, #tpu.memory_space<hbm>>
      tpu.enqueue_indirect_dma source(%dma_start3A_18 : memref<10240x128xf32, #tpu.memory_space<hbm>>) target(%arg9 : memref<128x128xf32, #tpu.memory_space<vmem>>) offsets(%dma_start3A_15 : memref<128xi32, #tpu.memory_space<vmem>>) semaphore(%arg11 : memref<!tpu.dma_semaphore, #tpu.memory_space<semaphore_mem>>)
      %dma_wait3A = arith.constant 0 : i32
      %dma_wait3A_19 = tpu.memref_slice %arg7[%scan3A_13, %dma_wait3A] : memref<80x128xi32, #tpu.memory_space<vmem>> -> memref<1x128xi32, #tpu.memory_space<vmem>>
      %dma_wait3A_20 = tpu.memref_squeeze %dma_wait3A_19 : memref<1x128xi32, #tpu.memory_space<vmem>> -> memref<128xi32, #tpu.memory_space<vmem>>
      %dma_wait3A_21 = arith.constant 0 : i32
      %dma_wait3A_22 = arith.constant 0 : i32
      %dma_wait3A_23 = tpu.memref_slice %arg2[%dma_wait3A_21, %dma_wait3A_22] : memref<10240x128xf32, #tpu.memory_space<hbm>> -> memref<10240x128xf32, #tpu.memory_space<hbm>>
      tpu.wait_indirect_dma semaphore(%arg11 : memref<!tpu.dma_semaphore, #tpu.memory_space<semaphore_mem>>) src(%dma_wait3A_23 : memref<10240x128xf32, #tpu.memory_space<hbm>>) dst(%arg9 : memref<128x128xf32, #tpu.memory_space<vmem>>)
      "tpu.region"() ({
        %run_scoped3A = tpu.sem_alloc : memref<!tpu.dma_semaphore, #tpu.memory_space<semaphore_mem>>
        %dma_start3A_24 = arith.constant 0 : i32
        %dma_start3A_25 = tpu.memref_slice %arg8[%scan3A_13, %dma_start3A_24] : memref<80x128xi32, #tpu.memory_space<vmem>> -> memref<1x128xi32, #tpu.memory_space<vmem>>
        %dma_start3A_26 = tpu.memref_squeeze %dma_start3A_25 : memref<1x128xi32, #tpu.memory_space<vmem>> -> memref<128xi32, #tpu.memory_space<vmem>>
        %dma_start3A_27 = arith.constant 0 : i32
        %dma_start3A_28 = arith.constant 0 : i32
        %dma_start3A_29 = tpu.memref_slice %arg10[%dma_start3A_27, %dma_start3A_28] : memref<10240x128xf32, #tpu.memory_space<vmem_shared>> -> memref<10240x128xf32, #tpu.memory_space<vmem_shared>>
        tpu.enqueue_indirect_dma source(%arg9 : memref<128x128xf32, #tpu.memory_space<vmem>>) target(%dma_start3A_29 : memref<10240x128xf32, #tpu.memory_space<vmem_shared>>) offsets(%dma_start3A_26 : memref<128xi32, #tpu.memory_space<vmem>>) semaphore(%run_scoped3A : memref<!tpu.dma_semaphore, #tpu.memory_space<semaphore_mem>>) {add = true}
        %dma_wait3A_30 = arith.constant 0 : i32
        %dma_wait3A_31 = tpu.memref_slice %arg8[%scan3A_13, %dma_wait3A_30] : memref<80x128xi32, #tpu.memory_space<vmem>> -> memref<1x128xi32, #tpu.memory_space<vmem>>
        %dma_wait3A_32 = tpu.memref_squeeze %dma_wait3A_31 : memref<1x128xi32, #tpu.memory_space<vmem>> -> memref<128xi32, #tpu.memory_space<vmem>>
        %dma_wait3A_33 = arith.constant 0 : i32
        %dma_wait3A_34 = arith.constant 0 : i32
        %dma_wait3A_35 = tpu.memref_slice %arg10[%dma_wait3A_33, %dma_wait3A_34] : memref<10240x128xf32, #tpu.memory_space<vmem_shared>> -> memref<10240x128xf32, #tpu.memory_space<vmem_shared>>
        tpu.wait_indirect_dma semaphore(%run_scoped3A : memref<!tpu.dma_semaphore, #tpu.memory_space<semaphore_mem>>) src(%arg9 : memref<128x128xf32, #tpu.memory_space<vmem>>) dst(%dma_wait3A_35 : memref<10240x128xf32, #tpu.memory_space<vmem_shared>>)
        tpu.yield
      }) : () -> ()
    }
    %scan3A_7 = arith.constant 80 : i32
    %barrier3A_8 = arith.constant 0 : index
    tpu.barrier barrier_id(%barrier3A_8)
    %mul3A_9 = arith.constant 640 : i32
    %mul3A_10 = arith.muli %arg1, %mul3A_9 : i32
    %mul3A_11 = arith.constant 640 : i32
    %mul3A_12 = arith.muli %arg1, %mul3A_11 : i32
    "tpu.region"() ({
      %run_scoped3A = tpu.sem_alloc : memref<!tpu.dma_semaphore, #tpu.memory_space<semaphore_mem>>
      %dma_start3A = arith.constant 0 : i32
      %dma_start3A_13 = tpu.memref_slice %arg6[%arg0, %mul3A_12, %dma_start3A] : memref<2x10240x128xf32, #tpu.memory_space<hbm>> -> memref<1x640x128xf32, #tpu.memory_space<hbm>>
      %dma_start3A_14 = tpu.memref_squeeze %dma_start3A_13 : memref<1x640x128xf32, #tpu.memory_space<hbm>> -> memref<640x128xf32, #tpu.memory_space<hbm>>
      %dma_start3A_15 = arith.constant 0 : i32
      %dma_start3A_16 = tpu.memref_slice %arg10[%mul3A_10, %dma_start3A_15] : memref<10240x128xf32, #tpu.memory_space<vmem_shared>> -> memref<640x128xf32, #tpu.memory_space<vmem_shared>>
      tpu.enqueue_dma source(%dma_start3A_16 : memref<640x128xf32, #tpu.memory_space<vmem_shared>>) target(%dma_start3A_14 : memref<640x128xf32, #tpu.memory_space<hbm>>) target_semaphore(%run_scoped3A : memref<!tpu.dma_semaphore, #tpu.memory_space<semaphore_mem>>)
      %dma_wait3A = arith.constant 0 : i32
      %dma_wait3A_17 = tpu.memref_slice %arg6[%arg0, %mul3A_12, %dma_wait3A] : memref<2x10240x128xf32, #tpu.memory_space<hbm>> -> memref<1x640x128xf32, #tpu.memory_space<hbm>>
      %dma_wait3A_18 = tpu.memref_squeeze %dma_wait3A_17 : memref<1x640x128xf32, #tpu.memory_space<hbm>> -> memref<640x128xf32, #tpu.memory_space<hbm>>
      %dma_wait3A_19 = arith.constant 0 : i32
      %dma_wait3A_20 = tpu.memref_slice %arg10[%mul3A_10, %dma_wait3A_19] : memref<10240x128xf32, #tpu.memory_space<vmem_shared>> -> memref<640x128xf32, #tpu.memory_space<vmem_shared>>
      tpu.wait_dma2 semaphore(%run_scoped3A : memref<!tpu.dma_semaphore, #tpu.memory_space<semaphore_mem>>) src(%dma_wait3A_20 : memref<640x128xf32, #tpu.memory_space<vmem_shared>>) dst(%dma_wait3A_18 : memref<640x128xf32, #tpu.memory_space<hbm>>)
      tpu.yield
    }) : () -> ()
    return
  }
}

#map = affine_map<(d0, d1) -> (0, 0)>
#map1 = affine_map<(d0, d1) -> (0, 0, 0)>
module attributes {stable_mosaic.version = 14 : i64} {
  func.func @_rows_kernel(%arg0: i32, %arg1: i32, %arg2: memref<10240x128xf32, #tpu.memory_space<hbm>>, %arg3: memref<32x80x128xi32, #tpu.memory_space<hbm>>, %arg4: memref<32x80x128xi32, #tpu.memory_space<hbm>>, %arg5: memref<640x128xf32, #tpu.memory_space<hbm>>, %arg6: memref<2x10240x128xf32, #tpu.memory_space<hbm>>, %arg7: memref<80x128xi32, #tpu.memory_space<vmem>>, %arg8: memref<80x128xi32, #tpu.memory_space<vmem>>, %arg9: memref<128x128xf32, #tpu.memory_space<vmem>>, %arg10: memref<10240x128xf32, #tpu.memory_space<vmem_shared>>, %arg11: memref<!tpu.dma_semaphore, #tpu.memory_space<semaphore_mem>>) attributes {dimension_semantics = [#tpu.dimension_semantics<core_parallel>, #tpu.dimension_semantics<subcore_parallel>], iteration_bounds = array<i64: 2, 16>, scalar_prefetch = 0 : i64, scratch_operands = 5 : i64, tpu.core_type = #tpu.core_type<sc_vector_subcore>, window_params = [{transform_indices = #map}, {transform_indices = #map1}, {transform_indices = #map1}, {transform_indices = #map}, {transform_indices = #map1}]} {
    %mul3A = arith.constant 16 : i32
    %mul3A_0 = arith.muli %arg0, %mul3A : i32
    %add3A = arith.addi %mul3A_0, %arg1 : i32
    "tpu.region"() ({
      %run_scoped3A = tpu.sem_alloc : memref<!tpu.dma_semaphore, #tpu.memory_space<semaphore_mem>>
      %dma_start3A = arith.constant 0 : i32
      %dma_start3A_13 = arith.constant 0 : i32
      %dma_start3A_14 = tpu.memref_slice %arg3[%add3A, %dma_start3A, %dma_start3A_13] : memref<32x80x128xi32, #tpu.memory_space<hbm>> -> memref<1x80x128xi32, #tpu.memory_space<hbm>>
      %dma_start3A_15 = tpu.memref_squeeze %dma_start3A_14 : memref<1x80x128xi32, #tpu.memory_space<hbm>> -> memref<80x128xi32, #tpu.memory_space<hbm>>
      %dma_start3A_16 = arith.constant 0 : i32
      %dma_start3A_17 = arith.constant 0 : i32
      %dma_start3A_18 = tpu.memref_slice %arg3[%add3A, %dma_start3A_16, %dma_start3A_17] : memref<32x80x128xi32, #tpu.memory_space<hbm>> -> memref<1x80x128xi32, #tpu.memory_space<hbm>>
      %dma_start3A_19 = tpu.memref_squeeze %dma_start3A_18 : memref<1x80x128xi32, #tpu.memory_space<hbm>> -> memref<80x128xi32, #tpu.memory_space<hbm>>
      tpu.enqueue_dma source(%dma_start3A_19 : memref<80x128xi32, #tpu.memory_space<hbm>>) target(%arg7 : memref<80x128xi32, #tpu.memory_space<vmem>>) target_semaphore(%run_scoped3A : memref<!tpu.dma_semaphore, #tpu.memory_space<semaphore_mem>>)
      %dma_wait3A = arith.constant 0 : i32
      %dma_wait3A_20 = arith.constant 0 : i32
      %dma_wait3A_21 = tpu.memref_slice %arg3[%add3A, %dma_wait3A, %dma_wait3A_20] : memref<32x80x128xi32, #tpu.memory_space<hbm>> -> memref<1x80x128xi32, #tpu.memory_space<hbm>>
      %dma_wait3A_22 = tpu.memref_squeeze %dma_wait3A_21 : memref<1x80x128xi32, #tpu.memory_space<hbm>> -> memref<80x128xi32, #tpu.memory_space<hbm>>
      %dma_wait3A_23 = arith.constant 0 : i32
      %dma_wait3A_24 = arith.constant 0 : i32
      %dma_wait3A_25 = tpu.memref_slice %arg3[%add3A, %dma_wait3A_23, %dma_wait3A_24] : memref<32x80x128xi32, #tpu.memory_space<hbm>> -> memref<1x80x128xi32, #tpu.memory_space<hbm>>
      %dma_wait3A_26 = tpu.memref_squeeze %dma_wait3A_25 : memref<1x80x128xi32, #tpu.memory_space<hbm>> -> memref<80x128xi32, #tpu.memory_space<hbm>>
      tpu.wait_dma2 semaphore(%run_scoped3A : memref<!tpu.dma_semaphore, #tpu.memory_space<semaphore_mem>>) src(%dma_wait3A_26 : memref<80x128xi32, #tpu.memory_space<hbm>>) dst(%arg7 : memref<80x128xi32, #tpu.memory_space<vmem>>)
      tpu.yield
    }) : () -> ()
    "tpu.region"() ({
      %run_scoped3A = tpu.sem_alloc : memref<!tpu.dma_semaphore, #tpu.memory_space<semaphore_mem>>
      %dma_start3A = arith.constant 0 : i32
      %dma_start3A_13 = arith.constant 0 : i32
      %dma_start3A_14 = tpu.memref_slice %arg4[%add3A, %dma_start3A, %dma_start3A_13] : memref<32x80x128xi32, #tpu.memory_space<hbm>> -> memref<1x80x128xi32, #tpu.memory_space<hbm>>
      %dma_start3A_15 = tpu.memref_squeeze %dma_start3A_14 : memref<1x80x128xi32, #tpu.memory_space<hbm>> -> memref<80x128xi32, #tpu.memory_space<hbm>>
      %dma_start3A_16 = arith.constant 0 : i32
      %dma_start3A_17 = arith.constant 0 : i32
      %dma_start3A_18 = tpu.memref_slice %arg4[%add3A, %dma_start3A_16, %dma_start3A_17] : memref<32x80x128xi32, #tpu.memory_space<hbm>> -> memref<1x80x128xi32, #tpu.memory_space<hbm>>
      %dma_start3A_19 = tpu.memref_squeeze %dma_start3A_18 : memref<1x80x128xi32, #tpu.memory_space<hbm>> -> memref<80x128xi32, #tpu.memory_space<hbm>>
      tpu.enqueue_dma source(%dma_start3A_19 : memref<80x128xi32, #tpu.memory_space<hbm>>) target(%arg8 : memref<80x128xi32, #tpu.memory_space<vmem>>) target_semaphore(%run_scoped3A : memref<!tpu.dma_semaphore, #tpu.memory_space<semaphore_mem>>)
      %dma_wait3A = arith.constant 0 : i32
      %dma_wait3A_20 = arith.constant 0 : i32
      %dma_wait3A_21 = tpu.memref_slice %arg4[%add3A, %dma_wait3A, %dma_wait3A_20] : memref<32x80x128xi32, #tpu.memory_space<hbm>> -> memref<1x80x128xi32, #tpu.memory_space<hbm>>
      %dma_wait3A_22 = tpu.memref_squeeze %dma_wait3A_21 : memref<1x80x128xi32, #tpu.memory_space<hbm>> -> memref<80x128xi32, #tpu.memory_space<hbm>>
      %dma_wait3A_23 = arith.constant 0 : i32
      %dma_wait3A_24 = arith.constant 0 : i32
      %dma_wait3A_25 = tpu.memref_slice %arg4[%add3A, %dma_wait3A_23, %dma_wait3A_24] : memref<32x80x128xi32, #tpu.memory_space<hbm>> -> memref<1x80x128xi32, #tpu.memory_space<hbm>>
      %dma_wait3A_26 = tpu.memref_squeeze %dma_wait3A_25 : memref<1x80x128xi32, #tpu.memory_space<hbm>> -> memref<80x128xi32, #tpu.memory_space<hbm>>
      tpu.wait_dma2 semaphore(%run_scoped3A : memref<!tpu.dma_semaphore, #tpu.memory_space<semaphore_mem>>) src(%dma_wait3A_26 : memref<80x128xi32, #tpu.memory_space<hbm>>) dst(%arg8 : memref<80x128xi32, #tpu.memory_space<vmem>>)
      tpu.yield
    }) : () -> ()
    %mul3A_1 = arith.constant 640 : i32
    %mul3A_2 = arith.muli %arg1, %mul3A_1 : i32
    "tpu.region"() ({
      %run_scoped3A = tpu.sem_alloc : memref<!tpu.dma_semaphore, #tpu.memory_space<semaphore_mem>>
      %dma_start3A = arith.constant 0 : i32
      %dma_start3A_13 = tpu.memref_slice %arg10[%mul3A_2, %dma_start3A] : memref<10240x128xf32, #tpu.memory_space<vmem_shared>> -> memref<640x128xf32, #tpu.memory_space<vmem_shared>>
      tpu.enqueue_dma source(%arg5 : memref<640x128xf32, #tpu.memory_space<hbm>>) target(%dma_start3A_13 : memref<640x128xf32, #tpu.memory_space<vmem_shared>>) target_semaphore(%run_scoped3A : memref<!tpu.dma_semaphore, #tpu.memory_space<semaphore_mem>>)
      %dma_wait3A = arith.constant 0 : i32
      %dma_wait3A_14 = tpu.memref_slice %arg10[%mul3A_2, %dma_wait3A] : memref<10240x128xf32, #tpu.memory_space<vmem_shared>> -> memref<640x128xf32, #tpu.memory_space<vmem_shared>>
      tpu.wait_dma2 semaphore(%run_scoped3A : memref<!tpu.dma_semaphore, #tpu.memory_space<semaphore_mem>>) src(%arg5 : memref<640x128xf32, #tpu.memory_space<hbm>>) dst(%dma_wait3A_14 : memref<640x128xf32, #tpu.memory_space<vmem_shared>>)
      tpu.yield
    }) : () -> ()
    %barrier3A = arith.constant 0 : index
    tpu.barrier barrier_id(%barrier3A)
    %scan3A = arith.constant 0 : i32
    %scan3A_3 = arith.constant 0 : i32
    %scan3A_4 = arith.constant 80 : i32
    %scan3A_5 = arith.addi %scan3A_3, %scan3A_4 : i32
    %scan3A_6 = arith.constant 1 : i32
    scf.for %scan3A_13 = %scan3A_3 to %scan3A_5 step %scan3A_6  : i32 {
      %dma_start3A = arith.constant 0 : i32
      %dma_start3A_14 = tpu.memref_slice %arg7[%scan3A_13, %dma_start3A] : memref<80x128xi32, #tpu.memory_space<vmem>> -> memref<1x128xi32, #tpu.memory_space<vmem>>
      %dma_start3A_15 = tpu.memref_squeeze %dma_start3A_14 : memref<1x128xi32, #tpu.memory_space<vmem>> -> memref<128xi32, #tpu.memory_space<vmem>>
      %dma_start3A_16 = arith.constant 0 : i32
      %dma_start3A_17 = arith.constant 0 : i32
      %dma_start3A_18 = tpu.memref_slice %arg2[%dma_start3A_16, %dma_start3A_17] : memref<10240x128xf32, #tpu.memory_space<hbm>> -> memref<10240x128xf32, #tpu.memory_space<hbm>>
      tpu.enqueue_indirect_dma source(%dma_start3A_18 : memref<10240x128xf32, #tpu.memory_space<hbm>>) target(%arg9 : memref<128x128xf32, #tpu.memory_space<vmem>>) offsets(%dma_start3A_15 : memref<128xi32, #tpu.memory_space<vmem>>) semaphore(%arg11 : memref<!tpu.dma_semaphore, #tpu.memory_space<semaphore_mem>>)
      %dma_wait3A = arith.constant 0 : i32
      %dma_wait3A_19 = tpu.memref_slice %arg7[%scan3A_13, %dma_wait3A] : memref<80x128xi32, #tpu.memory_space<vmem>> -> memref<1x128xi32, #tpu.memory_space<vmem>>
      %dma_wait3A_20 = tpu.memref_squeeze %dma_wait3A_19 : memref<1x128xi32, #tpu.memory_space<vmem>> -> memref<128xi32, #tpu.memory_space<vmem>>
      %dma_wait3A_21 = arith.constant 0 : i32
      %dma_wait3A_22 = arith.constant 0 : i32
      %dma_wait3A_23 = tpu.memref_slice %arg2[%dma_wait3A_21, %dma_wait3A_22] : memref<10240x128xf32, #tpu.memory_space<hbm>> -> memref<10240x128xf32, #tpu.memory_space<hbm>>
      tpu.wait_indirect_dma semaphore(%arg11 : memref<!tpu.dma_semaphore, #tpu.memory_space<semaphore_mem>>) src(%dma_wait3A_23 : memref<10240x128xf32, #tpu.memory_space<hbm>>) dst(%arg9 : memref<128x128xf32, #tpu.memory_space<vmem>>)
      "tpu.region"() ({
        %run_scoped3A = tpu.sem_alloc : memref<!tpu.dma_semaphore, #tpu.memory_space<semaphore_mem>>
        %dma_start3A_24 = arith.constant 0 : i32
        %dma_start3A_25 = tpu.memref_slice %arg8[%scan3A_13, %dma_start3A_24] : memref<80x128xi32, #tpu.memory_space<vmem>> -> memref<1x128xi32, #tpu.memory_space<vmem>>
        %dma_start3A_26 = tpu.memref_squeeze %dma_start3A_25 : memref<1x128xi32, #tpu.memory_space<vmem>> -> memref<128xi32, #tpu.memory_space<vmem>>
        %dma_start3A_27 = arith.constant 0 : i32
        %dma_start3A_28 = arith.constant 0 : i32
        %dma_start3A_29 = tpu.memref_slice %arg10[%dma_start3A_27, %dma_start3A_28] : memref<10240x128xf32, #tpu.memory_space<vmem_shared>> -> memref<10240x128xf32, #tpu.memory_space<vmem_shared>>
        tpu.enqueue_indirect_dma source(%arg9 : memref<128x128xf32, #tpu.memory_space<vmem>>) target(%dma_start3A_29 : memref<10240x128xf32, #tpu.memory_space<vmem_shared>>) offsets(%dma_start3A_26 : memref<128xi32, #tpu.memory_space<vmem>>) semaphore(%run_scoped3A : memref<!tpu.dma_semaphore, #tpu.memory_space<semaphore_mem>>) {add = true}
        %dma_wait3A_30 = arith.constant 0 : i32
        %dma_wait3A_31 = tpu.memref_slice %arg8[%scan3A_13, %dma_wait3A_30] : memref<80x128xi32, #tpu.memory_space<vmem>> -> memref<1x128xi32, #tpu.memory_space<vmem>>
        %dma_wait3A_32 = tpu.memref_squeeze %dma_wait3A_31 : memref<1x128xi32, #tpu.memory_space<vmem>> -> memref<128xi32, #tpu.memory_space<vmem>>
        %dma_wait3A_33 = arith.constant 0 : i32
        %dma_wait3A_34 = arith.constant 0 : i32
        %dma_wait3A_35 = tpu.memref_slice %arg10[%dma_wait3A_33, %dma_wait3A_34] : memref<10240x128xf32, #tpu.memory_space<vmem_shared>> -> memref<10240x128xf32, #tpu.memory_space<vmem_shared>>
        tpu.wait_indirect_dma semaphore(%run_scoped3A : memref<!tpu.dma_semaphore, #tpu.memory_space<semaphore_mem>>) src(%arg9 : memref<128x128xf32, #tpu.memory_space<vmem>>) dst(%dma_wait3A_35 : memref<10240x128xf32, #tpu.memory_space<vmem_shared>>)
        tpu.yield
      }) : () -> ()
    }
    %scan3A_7 = arith.constant 80 : i32
    %barrier3A_8 = arith.constant 0 : index
    tpu.barrier barrier_id(%barrier3A_8)
    %mul3A_9 = arith.constant 640 : i32
    %mul3A_10 = arith.muli %arg1, %mul3A_9 : i32
    %mul3A_11 = arith.constant 640 : i32
    %mul3A_12 = arith.muli %arg1, %mul3A_11 : i32
    "tpu.region"() ({
      %run_scoped3A = tpu.sem_alloc : memref<!tpu.dma_semaphore, #tpu.memory_space<semaphore_mem>>
      %dma_start3A = arith.constant 0 : i32
      %dma_start3A_13 = tpu.memref_slice %arg6[%arg0, %mul3A_12, %dma_start3A] : memref<2x10240x128xf32, #tpu.memory_space<hbm>> -> memref<1x640x128xf32, #tpu.memory_space<hbm>>
      %dma_start3A_14 = tpu.memref_squeeze %dma_start3A_13 : memref<1x640x128xf32, #tpu.memory_space<hbm>> -> memref<640x128xf32, #tpu.memory_space<hbm>>
      %dma_start3A_15 = arith.constant 0 : i32
      %dma_start3A_16 = tpu.memref_slice %arg10[%mul3A_10, %dma_start3A_15] : memref<10240x128xf32, #tpu.memory_space<vmem_shared>> -> memref<640x128xf32, #tpu.memory_space<vmem_shared>>
      tpu.enqueue_dma source(%dma_start3A_16 : memref<640x128xf32, #tpu.memory_space<vmem_shared>>) target(%dma_start3A_14 : memref<640x128xf32, #tpu.memory_space<hbm>>) target_semaphore(%run_scoped3A : memref<!tpu.dma_semaphore, #tpu.memory_space<semaphore_mem>>)
      %dma_wait3A = arith.constant 0 : i32
      %dma_wait3A_17 = tpu.memref_slice %arg6[%arg0, %mul3A_12, %dma_wait3A] : memref<2x10240x128xf32, #tpu.memory_space<hbm>> -> memref<1x640x128xf32, #tpu.memory_space<hbm>>
      %dma_wait3A_18 = tpu.memref_squeeze %dma_wait3A_17 : memref<1x640x128xf32, #tpu.memory_space<hbm>> -> memref<640x128xf32, #tpu.memory_space<hbm>>
      %dma_wait3A_19 = arith.constant 0 : i32
      %dma_wait3A_20 = tpu.memref_slice %arg10[%mul3A_10, %dma_wait3A_19] : memref<10240x128xf32, #tpu.memory_space<vmem_shared>> -> memref<640x128xf32, #tpu.memory_space<vmem_shared>>
      tpu.wait_dma2 semaphore(%run_scoped3A : memref<!tpu.dma_semaphore, #tpu.memory_space<semaphore_mem>>) src(%dma_wait3A_20 : memref<640x128xf32, #tpu.memory_space<vmem_shared>>) dst(%dma_wait3A_18 : memref<640x128xf32, #tpu.memory_space<hbm>>)
      tpu.yield
    }) : () -> ()
    return
  }
}

module attributes {stable_mosaic.version = 14 : i64} {
  func.func @_tc1_body(%arg0: i32, %arg1: memref<1024x128xf32, #tpu.memory_space<vmem>>, %arg2: memref<128x128xf32, #tpu.memory_space<vmem>>, %arg3: memref<2x1024x1xf32, #tpu.memory_space<vmem>>, %arg4: memref<1024x128xf32, #tpu.memory_space<vmem>>) attributes {dimension_semantics = [#tpu.dimension_semantics<arbitrary>], iteration_bounds = array<i64: 10>, scalar_prefetch = 0 : i64, scratch_operands = 0 : i64, tpu.core_type = #tpu.core_type<tc>, window_params = [{transform_indices = @transform_0, window_bounds = array<i64: 1024, 128>}, {pipeline_mode = #tpu.pipeline_mode<synchronous>, transform_indices = @transform_1, window_bounds = array<i64: 128, 128>}, {transform_indices = @transform_2, window_bounds = array<i64: 2, 1024, 1>}, {transform_indices = @transform_3, window_bounds = array<i64: 1024, 128>}]} {
    %get3A = arith.constant 0 : index
    %get3A_0 = arith.constant 0 : index
    %get3A_1 = arith.constant 0 : index
    %get3A_2 = vector.load %arg3[%get3A, %get3A_0, %get3A_1] : memref<2x1024x1xf32, #tpu.memory_space<vmem>>, vector<2x1024x1xf32>
    %slice3A = vector.extract_strided_slice %get3A_2 {offsets = [0, 0, 0], sizes = [1, 1024, 1], strides = [1, 1, 1]} : vector<2x1024x1xf32> to vector<1x1024x1xf32>
    %squeeze3A = vector.shape_cast %slice3A : vector<1x1024x1xf32> to vector<1024x1xf32>
    %slice3A_3 = vector.extract_strided_slice %get3A_2 {offsets = [1, 0, 0], sizes = [1, 1024, 1], strides = [1, 1, 1]} : vector<2x1024x1xf32> to vector<1x1024x1xf32>
    %squeeze3A_4 = vector.shape_cast %slice3A_3 : vector<1x1024x1xf32> to vector<1024x1xf32>
    %add3A = arith.addf %squeeze3A, %squeeze3A_4 : vector<1024x1xf32>
    %add3A_5 = arith.constant 1.000000e+00 : f32
    %add3A_6 = vector.broadcast %add3A_5 : f32 to vector<1024x1xf32>
    %add3A_7 = arith.addf %add3A, %add3A_6 : vector<1024x1xf32>
    %rsqrt3A = math.rsqrt %add3A_7 : vector<1024x1xf32>
    %get3A_8 = arith.constant 0 : index
    %get3A_9 = arith.constant 0 : index
    %get3A_10 = vector.load %arg1[%get3A_8, %get3A_9] : memref<1024x128xf32, #tpu.memory_space<vmem>>, vector<1024x128xf32>
    %get3A_11 = arith.constant 0 : index
    %get3A_12 = arith.constant 0 : index
    %get3A_13 = vector.load %arg2[%get3A_11, %get3A_12] : memref<128x128xf32, #tpu.memory_space<vmem>>, vector<128x128xf32>
    %dot_general3A = arith.constant dense<0.000000e+00> : vector<1024x128xf32>
    %dot_general3A_14 = tpu.matmul %get3A_10, %get3A_13, %dot_general3A {dimension_numbers = #tpu.dot_dimension_numbers<[1], [0], [0], [1], [0, 0, 1, 1], [], []>, transpose_lhs_hint = false} : vector<1024x128xf32>, vector<128x128xf32>, vector<1024x128xf32> -> vector<1024x128xf32>
    %mul3A = vector.broadcast %rsqrt3A : vector<1024x1xf32> to vector<1024x128xf32>
    %mul3A_15 = arith.mulf %dot_general3A_14, %mul3A : vector<1024x128xf32>
    %swap3A = arith.constant 0 : index
    %swap3A_16 = arith.constant 0 : index
    %swap3A_17 = vector.load %arg4[%swap3A, %swap3A_16] : memref<1024x128xf32, #tpu.memory_space<vmem>>, vector<1024x128xf32>
    tpu.vector_store %arg4[%swap3A, %swap3A_16], %mul3A_15 {strides = array<i32>} : memref<1024x128xf32, #tpu.memory_space<vmem>>, vector<1024x128xf32>,
    return
  }
  func.func @transform_0(%arg0: i32) -> (i32, i32) {
    %c0_i32 = arith.constant 0 : i32
    %c0_i32_0 = arith.constant 0 : i32
    return %arg0, %c0_i32 : i32, i32
  }
  func.func @transform_1(%arg0: i32) -> (i32, i32) {
    %c0_i32 = arith.constant 0 : i32
    %c0_i32_0 = arith.constant 0 : i32
    %c0_i32_1 = arith.constant 0 : i32
    return %c0_i32, %c0_i32_0 : i32, i32
  }
  func.func @transform_2(%arg0: i32) -> (i32, i32, i32) {
    %c0_i32 = arith.constant 0 : i32
    %c0_i32_0 = arith.constant 0 : i32
    %c0_i32_1 = arith.constant 0 : i32
    return %c0_i32, %arg0, %c0_i32_0 : i32, i32, i32
  }
  func.func @transform_3(%arg0: i32) -> (i32, i32) {
    %c0_i32 = arith.constant 0 : i32
    %c0_i32_0 = arith.constant 0 : i32
    return %arg0, %c0_i32 : i32, i32
  }
}

module attributes {stable_mosaic.version = 14 : i64} {
  func.func @_tc2_body(%arg0: i32, %arg1: memref<2x1024x128xf32, #tpu.memory_space<vmem>>, %arg2: memref<1024x128xf32, #tpu.memory_space<vmem>>, %arg3: memref<128x128xf32, #tpu.memory_space<vmem>>, %arg4: memref<2x1024x1xf32, #tpu.memory_space<vmem>>, %arg5: memref<1x128xf32, #tpu.memory_space<vmem>>, %arg6: memref<1024x128xf32, #tpu.memory_space<vmem>>) attributes {dimension_semantics = [#tpu.dimension_semantics<arbitrary>], iteration_bounds = array<i64: 10>, scalar_prefetch = 0 : i64, scratch_operands = 0 : i64, tpu.core_type = #tpu.core_type<tc>, window_params = [{transform_indices = @transform_0, window_bounds = array<i64: 2, 1024, 128>}, {transform_indices = @transform_1, window_bounds = array<i64: 1024, 128>}, {pipeline_mode = #tpu.pipeline_mode<synchronous>, transform_indices = @transform_2, window_bounds = array<i64: 128, 128>}, {transform_indices = @transform_3, window_bounds = array<i64: 2, 1024, 1>}, {pipeline_mode = #tpu.pipeline_mode<synchronous>, transform_indices = @transform_4, window_bounds = array<i64: 1, 128>}, {transform_indices = @transform_5, window_bounds = array<i64: 1024, 128>}]} {
    %get3A = arith.constant 0 : index
    %get3A_0 = arith.constant 0 : index
    %get3A_1 = arith.constant 0 : index
    %get3A_2 = vector.load %arg4[%get3A, %get3A_0, %get3A_1] : memref<2x1024x1xf32, #tpu.memory_space<vmem>>, vector<2x1024x1xf32>
    %slice3A = vector.extract_strided_slice %get3A_2 {offsets = [0, 0, 0], sizes = [1, 1024, 1], strides = [1, 1, 1]} : vector<2x1024x1xf32> to vector<1x1024x1xf32>
    %squeeze3A = vector.shape_cast %slice3A : vector<1x1024x1xf32> to vector<1024x1xf32>
    %slice3A_3 = vector.extract_strided_slice %get3A_2 {offsets = [1, 0, 0], sizes = [1, 1024, 1], strides = [1, 1, 1]} : vector<2x1024x1xf32> to vector<1x1024x1xf32>
    %squeeze3A_4 = vector.shape_cast %slice3A_3 : vector<1x1024x1xf32> to vector<1024x1xf32>
    %add3A = arith.addf %squeeze3A, %squeeze3A_4 : vector<1024x1xf32>
    %add3A_5 = arith.constant 1.000000e+00 : f32
    %add3A_6 = vector.broadcast %add3A_5 : f32 to vector<1024x1xf32>
    %add3A_7 = arith.addf %add3A, %add3A_6 : vector<1024x1xf32>
    %rsqrt3A = math.rsqrt %add3A_7 : vector<1024x1xf32>
    %get3A_8 = arith.constant 0 : index
    %get3A_9 = arith.constant 0 : index
    %get3A_10 = arith.constant 0 : index
    %get3A_11 = vector.load %arg1[%get3A_8, %get3A_9, %get3A_10] : memref<2x1024x128xf32, #tpu.memory_space<vmem>>, vector<2x1024x128xf32>
    %slice3A_12 = vector.extract_strided_slice %get3A_11 {offsets = [0, 0, 0], sizes = [1, 1024, 128], strides = [1, 1, 1]} : vector<2x1024x128xf32> to vector<1x1024x128xf32>
    %squeeze3A_13 = vector.shape_cast %slice3A_12 : vector<1x1024x128xf32> to vector<1024x128xf32>
    %slice3A_14 = vector.extract_strided_slice %get3A_11 {offsets = [1, 0, 0], sizes = [1, 1024, 128], strides = [1, 1, 1]} : vector<2x1024x128xf32> to vector<1x1024x128xf32>
    %squeeze3A_15 = vector.shape_cast %slice3A_14 : vector<1x1024x128xf32> to vector<1024x128xf32>
    %add3A_16 = arith.addf %squeeze3A_13, %squeeze3A_15 : vector<1024x128xf32>
    %get3A_17 = arith.constant 0 : index
    %get3A_18 = arith.constant 0 : index
    %get3A_19 = vector.load %arg2[%get3A_17, %get3A_18] : memref<1024x128xf32, #tpu.memory_space<vmem>>, vector<1024x128xf32>
    %add3A_20 = arith.addf %add3A_16, %get3A_19 : vector<1024x128xf32>
    %mul3A = vector.broadcast %rsqrt3A : vector<1024x1xf32> to vector<1024x128xf32>
    %mul3A_21 = arith.mulf %add3A_20, %mul3A : vector<1024x128xf32>
    %get3A_22 = arith.constant 0 : index
    %get3A_23 = arith.constant 0 : index
    %get3A_24 = vector.load %arg5[%get3A_22, %get3A_23] : memref<1x128xf32, #tpu.memory_space<vmem>>, vector<1x128xf32>
    %add3A_25 = vector.broadcast %get3A_24 : vector<1x128xf32> to vector<1024x128xf32>
    %add3A_26 = arith.addf %mul3A_21, %add3A_25 : vector<1024x128xf32>
    %get3A_27 = arith.constant 0 : index
    %get3A_28 = arith.constant 0 : index
    %get3A_29 = vector.load %arg3[%get3A_27, %get3A_28] : memref<128x128xf32, #tpu.memory_space<vmem>>, vector<128x128xf32>
    %dot_general3A = arith.constant dense<0.000000e+00> : vector<1024x128xf32>
    %dot_general3A_30 = tpu.matmul %add3A_26, %get3A_29, %dot_general3A {dimension_numbers = #tpu.dot_dimension_numbers<[1], [0], [0], [1], [0, 0, 1, 1], [], []>, transpose_lhs_hint = false} : vector<1024x128xf32>, vector<128x128xf32>, vector<1024x128xf32> -> vector<1024x128xf32>
    %mul3A_31 = vector.broadcast %rsqrt3A : vector<1024x1xf32> to vector<1024x128xf32>
    %mul3A_32 = arith.mulf %dot_general3A_30, %mul3A_31 : vector<1024x128xf32>
    %swap3A = arith.constant 0 : index
    %swap3A_33 = arith.constant 0 : index
    %swap3A_34 = vector.load %arg6[%swap3A, %swap3A_33] : memref<1024x128xf32, #tpu.memory_space<vmem>>, vector<1024x128xf32>
    tpu.vector_store %arg6[%swap3A, %swap3A_33], %mul3A_32 {strides = array<i32>} : memref<1024x128xf32, #tpu.memory_space<vmem>>, vector<1024x128xf32>,
    return
  }
  func.func @transform_0(%arg0: i32) -> (i32, i32, i32) {
    %c0_i32 = arith.constant 0 : i32
    %c0_i32_0 = arith.constant 0 : i32
    %c0_i32_1 = arith.constant 0 : i32
    return %c0_i32, %arg0, %c0_i32_0 : i32, i32, i32
  }
  func.func @transform_1(%arg0: i32) -> (i32, i32) {
    %c0_i32 = arith.constant 0 : i32
    %c0_i32_0 = arith.constant 0 : i32
    return %arg0, %c0_i32 : i32, i32
  }
  func.func @transform_2(%arg0: i32) -> (i32, i32) {
    %c0_i32 = arith.constant 0 : i32
    %c0_i32_0 = arith.constant 0 : i32
    %c0_i32_1 = arith.constant 0 : i32
    return %c0_i32, %c0_i32_0 : i32, i32
  }
  func.func @transform_3(%arg0: i32) -> (i32, i32, i32) {
    %c0_i32 = arith.constant 0 : i32
    %c0_i32_0 = arith.constant 0 : i32
    %c0_i32_1 = arith.constant 0 : i32
    return %c0_i32, %arg0, %c0_i32_0 : i32, i32, i32
  }
  func.func @transform_4(%arg0: i32) -> (i32, i32) {
    %c0_i32 = arith.constant 0 : i32
    %c0_i32_0 = arith.constant 0 : i32
    %c0_i32_1 = arith.constant 0 : i32
    return %c0_i32, %c0_i32_0 : i32, i32
  }
  func.func @transform_5(%arg0: i32) -> (i32, i32) {
    %c0_i32 = arith.constant 0 : i32
    %c0_i32_0 = arith.constant 0 : i32
    return %arg0, %c0_i32 : i32, i32
  }
}

module attributes {stable_mosaic.version = 14 : i64} {
  func.func @_tc3_body(%arg0: i32, %arg1: memref<2x1024x128xf32, #tpu.memory_space<vmem>>, %arg2: memref<1024x128xf32, #tpu.memory_space<vmem>>, %arg3: memref<2x1024x1xf32, #tpu.memory_space<vmem>>, %arg4: memref<1x128xf32, #tpu.memory_space<vmem>>, %arg5: memref<1024x128xf32, #tpu.memory_space<vmem>>) attributes {dimension_semantics = [#tpu.dimension_semantics<arbitrary>], iteration_bounds = array<i64: 10>, scalar_prefetch = 0 : i64, scratch_operands = 0 : i64, tpu.core_type = #tpu.core_type<tc>, window_params = [{transform_indices = @transform_0, window_bounds = array<i64: 2, 1024, 128>}, {transform_indices = @transform_1, window_bounds = array<i64: 1024, 128>}, {transform_indices = @transform_2, window_bounds = array<i64: 2, 1024, 1>}, {pipeline_mode = #tpu.pipeline_mode<synchronous>, transform_indices = @transform_3, window_bounds = array<i64: 1, 128>}, {transform_indices = @transform_4, window_bounds = array<i64: 1024, 128>}]} {
    %get3A = arith.constant 0 : index
    %get3A_0 = arith.constant 0 : index
    %get3A_1 = arith.constant 0 : index
    %get3A_2 = vector.load %arg3[%get3A, %get3A_0, %get3A_1] : memref<2x1024x1xf32, #tpu.memory_space<vmem>>, vector<2x1024x1xf32>
    %slice3A = vector.extract_strided_slice %get3A_2 {offsets = [0, 0, 0], sizes = [1, 1024, 1], strides = [1, 1, 1]} : vector<2x1024x1xf32> to vector<1x1024x1xf32>
    %squeeze3A = vector.shape_cast %slice3A : vector<1x1024x1xf32> to vector<1024x1xf32>
    %slice3A_3 = vector.extract_strided_slice %get3A_2 {offsets = [1, 0, 0], sizes = [1, 1024, 1], strides = [1, 1, 1]} : vector<2x1024x1xf32> to vector<1x1024x1xf32>
    %squeeze3A_4 = vector.shape_cast %slice3A_3 : vector<1x1024x1xf32> to vector<1024x1xf32>
    %add3A = arith.addf %squeeze3A, %squeeze3A_4 : vector<1024x1xf32>
    %add3A_5 = arith.constant 1.000000e+00 : f32
    %add3A_6 = vector.broadcast %add3A_5 : f32 to vector<1024x1xf32>
    %add3A_7 = arith.addf %add3A, %add3A_6 : vector<1024x1xf32>
    %rsqrt3A = math.rsqrt %add3A_7 : vector<1024x1xf32>
    %get3A_8 = arith.constant 0 : index
    %get3A_9 = arith.constant 0 : index
    %get3A_10 = arith.constant 0 : index
    %get3A_11 = vector.load %arg1[%get3A_8, %get3A_9, %get3A_10] : memref<2x1024x128xf32, #tpu.memory_space<vmem>>, vector<2x1024x128xf32>
    %slice3A_12 = vector.extract_strided_slice %get3A_11 {offsets = [0, 0, 0], sizes = [1, 1024, 128], strides = [1, 1, 1]} : vector<2x1024x128xf32> to vector<1x1024x128xf32>
    %squeeze3A_13 = vector.shape_cast %slice3A_12 : vector<1x1024x128xf32> to vector<1024x128xf32>
    %slice3A_14 = vector.extract_strided_slice %get3A_11 {offsets = [1, 0, 0], sizes = [1, 1024, 128], strides = [1, 1, 1]} : vector<2x1024x128xf32> to vector<1x1024x128xf32>
    %squeeze3A_15 = vector.shape_cast %slice3A_14 : vector<1x1024x128xf32> to vector<1024x128xf32>
    %add3A_16 = arith.addf %squeeze3A_13, %squeeze3A_15 : vector<1024x128xf32>
    %get3A_17 = arith.constant 0 : index
    %get3A_18 = arith.constant 0 : index
    %get3A_19 = vector.load %arg2[%get3A_17, %get3A_18] : memref<1024x128xf32, #tpu.memory_space<vmem>>, vector<1024x128xf32>
    %add3A_20 = arith.addf %add3A_16, %get3A_19 : vector<1024x128xf32>
    %mul3A = vector.broadcast %rsqrt3A : vector<1024x1xf32> to vector<1024x128xf32>
    %mul3A_21 = arith.mulf %add3A_20, %mul3A : vector<1024x128xf32>
    %get3A_22 = arith.constant 0 : index
    %get3A_23 = arith.constant 0 : index
    %get3A_24 = vector.load %arg4[%get3A_22, %get3A_23] : memref<1x128xf32, #tpu.memory_space<vmem>>, vector<1x128xf32>
    %add3A_25 = vector.broadcast %get3A_24 : vector<1x128xf32> to vector<1024x128xf32>
    %add3A_26 = arith.addf %mul3A_21, %add3A_25 : vector<1024x128xf32>
    %swap3A = arith.constant 0 : index
    %swap3A_27 = arith.constant 0 : index
    %swap3A_28 = vector.load %arg5[%swap3A, %swap3A_27] : memref<1024x128xf32, #tpu.memory_space<vmem>>, vector<1024x128xf32>
    tpu.vector_store %arg5[%swap3A, %swap3A_27], %add3A_26 {strides = array<i32>} : memref<1024x128xf32, #tpu.memory_space<vmem>>, vector<1024x128xf32>,
    return
  }
  func.func @transform_0(%arg0: i32) -> (i32, i32, i32) {
    %c0_i32 = arith.constant 0 : i32
    %c0_i32_0 = arith.constant 0 : i32
    %c0_i32_1 = arith.constant 0 : i32
    return %c0_i32, %arg0, %c0_i32_0 : i32, i32, i32
  }
  func.func @transform_1(%arg0: i32) -> (i32, i32) {
    %c0_i32 = arith.constant 0 : i32
    %c0_i32_0 = arith.constant 0 : i32
    return %arg0, %c0_i32 : i32, i32
  }
  func.func @transform_2(%arg0: i32) -> (i32, i32, i32) {
    %c0_i32 = arith.constant 0 : i32
    %c0_i32_0 = arith.constant 0 : i32
    %c0_i32_1 = arith.constant 0 : i32
    return %c0_i32, %arg0, %c0_i32_0 : i32, i32, i32
  }
  func.func @transform_3(%arg0: i32) -> (i32, i32) {
    %c0_i32 = arith.constant 0 : i32
    %c0_i32_0 = arith.constant 0 : i32
    %c0_i32_1 = arith.constant 0 : i32
    return %c0_i32, %c0_i32_0 : i32, i32
  }
  func.func @transform_4(%arg0: i32) -> (i32, i32) {
    %c0_i32 = arith.constant 0 : i32
    %c0_i32_0 = arith.constant 0 : i32
    return %arg0, %c0_i32 : i32, i32
  }
}

</mosaic_0001>

<sc_bundles>
// kernel: kernel.11.cloned.1.call-start
scs
__scs_entry_jumppad:
0x0: {  	(pc) =	sbr.rel $0x88, $3  }
0x1: {  	(tag) =	ssettag $0x0;
	lr =	simm.s32 $0x1  }
0x2: {  	[smem:$0x3F9D] =	sst lr;
	_ =	strace $0xD0000000  }
0x3: {  	_ = 	snop  }
0x4: {  	_ = 	snop  }
0x5: {  	_ = 	snop  }
0x6: {  	_ = 	snop  }
0x7: {  	_ = 	snop  }
__scs_overlays_trampoline_lowered:
0x8: {  	[smem:$0x3FAC] =	sst s0  }
0x9: {  	[smem:$0x3FAD] =	sst s1  }
0xa: {  	[smem:$0x3FAE] =	sst s2  }
0xb: {  	[smem:$0x3FAF] =	sst s3  }
0xc: {  	[smem:$0x3FB0] =	sst s4  }
0xd: {  	[smem:$0x3FB1] =	sst s5  }
0xe: {  	[smem:$0x3FB2] =	sst s6  }
0xf: {  	[smem:$0x3FB3] =	sst s7  }
0x10: {  	[smem:$0x3FB4] =	sst s8  }
0x11: {  	[smem:$0x3FB5] =	sst s9;
	s0 =	simm.s32 @!p0 $0x0  }
0x12: {  	s1 =	sld [smem:$0x3F9B];
	s0 =	simm.s32 @p0 $0x1  }
0x13: {  	[smem:$0x3FB6] =	sst s0;
	s0 =	simm.s32 @!p1 $0x0  }
0x14: {  	s2 =	sld [smem:$0x3F9A];
	s0 =	simm.s32 @p1 $0x1  }
0x15: {  	[smem:$0x3FB7] =	sst s0;
	s0 =	simm.s32 @!p2 $0x0  }
0x16: {  	s3 =	sld [smem:$0x3FDB];
	s0 =	simm.s32 @p2 $0x1  }
0x17: {  	s4 =	simm.s32 $0x1BF5;
	[smem:$0x3FB9] =	sst s0  }
0x18: {  	s0 =	sld [smem:$0x3F9C];
	_ =	swait.ge [sflag:s4], $0x0  }
0x19: {  	s7 =	sld [smem:$0x3F9D]  }
0x1a: {  	s8 =	sadd.s32 $0xFFFFE003, lr  }
0x1b: {  	s9 =	sadd.s32 $0xFFFFFEF7, lr;
	s5 =	simm.s32 $0xFFFFFFFF;
	p2 =	slt.u32 s8, $0xFFFFF086  }
0x1c: {  	p1 =	slt.u32 s9, $0xF7A;
	s5 =	simm.s32 @!p2 $0x0  }
0x1d: {  	s5 =	simm.s32 @p1 $0x1;
	p0 =	seq.s32 s7, s2  }
0x1e: {  	s7 =	smul.u32 @!p0 $0xF7A, s2;
	p2 =	seq.s32 @!p0 s5, $0x0  }
0x1f: {  	s9 =	smul.u32 $0xF7A, s1;
	s8 =	simm.s32 @!p0 $0x1BF5;
	p2 =	por !p2, p0  }
0x20: {  	[sflag:s8] =	ssyncset.s32 @!p0 $0xFFFFF086;
	s6 =	sadd.s32 @!p0 s3, s7;
	s7 =	simm.s32 @!p0 $0x108  }
0x21: {  	s3 =	sadd.s32 s3, s9;
	s6 =	sadd.s32 @!p0 $0x88, s6;
	s7 =	simm.s32 @p2 $0x1082  }
0x22: {  	[simem:s7], [sflag:s8] =	dma.local @!p0 [hbm:s6], $0xF7A  }
0x23: {  	s9 =	sor.u32 $0xD0000000, s2;
	s6 =	simm.s32 $0x108;
	_ =	swait.ge @!p0 [sflag:s8], $0x0  }
0x24: {  	s3 =	sadd.s32 $0x88, s3;
	s6 =	simm.s32 @!p1 $0x1082;
	[sflag:s4] =	ssyncset.s32 $0xFFFFF086  }
0x25: {  	[simem:s6], [sflag:s4] =	dma.local [hbm:s3], $0xF7A  }
0x26: {  	[smem:$0x3F9D] =	sst s1;
	(tag) =	ssettag s2;
	_ =	strace s9  }
0x27: {  	s1 =	sld [smem:$0x3FAD]  }
0x28: {  	s2 =	sld [smem:$0x3FAE]  }
0x29: {  	s4 =	sld [smem:$0x3FB0]  }
0x2a: {  	p0 =	seq.s32 s5, $0x0;
	s5 =	sld [smem:$0x3FB1]  }
0x2b: {  	s6 =	sld [smem:$0x3FB2]  }
0x2c: {  	s7 =	sld [smem:$0x3FB3]  }
0x2d: {  	s3 =	simm.s32 $0x108;
	s8 =	sld [smem:$0x3FB4]  }
0x2e: {  	s3 =	simm.s32 @!p0 $0x1082;
	s9 =	sld [smem:$0x3FB5]  }
0x2f: {  	lr =	sadd.s32 s0, s3;
	s0 =	sld [smem:$0x3FAC]  }
0x30: {  	s3 =	sld [smem:$0x3FAF]  }
0x31: {  	[smem:$0x3FB8] =	sst s10  }
0x32: {  	s10 =	sld [smem:$0x3FB6];
	_ =	sdelay $0x3  }
0x33: {  	p0 =	seq.s32 s10, $0x1;
	s10 =	sld [smem:$0x3FB8];
	_ =	sdelay $0x3  }
0x34: {  	[smem:$0x3FB8] =	sst s10  }
0x35: {  	s10 =	sld [smem:$0x3FB7];
	_ =	sdelay $0x3  }
0x36: {  	p1 =	seq.s32 s10, $0x1;
	s10 =	sld [smem:$0x3FB8];
	_ =	sdelay $0x3  }
0x37: {  	[smem:$0x3FB8] =	sst s10  }
0x38: {  	s10 =	sld [smem:$0x3FB9]  }
0x39: {  	_ = 	snop;
	(pc) =	sbr.ind lr, $3  }
0x3a: {  	_ = 	snop  }
0x3b: {  	_ = 	snop  }
0x3c: {  	p2 =	seq.s32 s10, $0x1;
	s10 =	sld [smem:$0x3FB8]  }
0x3d: {  	_ =	shalt  }
0x3e: {  	_ =	shalt  }
0x3f: {  	_ =	shalt  }
0x40: {  	_ =	shalt  }
0x41: {  	_ =	shalt  }
0x42: {  	_ =	shalt  }
0x43: {  	_ =	shalt  }
0x44: {  	_ =	shalt  }
0x45: {  	_ =	shalt  }
0x46: {  	_ =	shalt  }
0x47: {  	_ =	shalt  }
0x48: {  	_ =	shalt  }
0x49: {  	_ =	shalt  }
0x4a: {  	_ =	shalt  }
0x4b: {  	_ =	shalt  }
0x4c: {  	_ =	shalt  }
0x4d: {  	_ =	shalt  }
0x4e: {  	_ =	shalt  }
0x4f: {  	_ =	shalt  }
0x50: {  	_ =	shalt  }
0x51: {  	_ =	shalt  }
0x52: {  	_ =	shalt  }
0x53: {  	_ =	shalt  }
0x54: {  	_ =	shalt  }
0x55: {  	_ =	shalt  }
0x56: {  	_ =	shalt  }
0x57: {  	_ =	shalt  }
0x58: {  	_ =	shalt  }
0x59: {  	_ =	shalt  }
0x5a: {  	_ =	shalt  }
0x5b: {  	_ =	shalt  }
0x5c: {  	_ =	shalt  }
0x5d: {  	_ =	shalt  }
0x5e: {  	_ =	shalt  }
0x5f: {  	_ =	shalt  }
0x60: {  	_ =	shalt  }
0x61: {  	_ =	shalt  }
0x62: {  	_ =	shalt  }
0x63: {  	_ =	shalt  }
0x64: {  	_ =	shalt  }
0x65: {  	_ =	shalt  }
0x66: {  	_ =	shalt  }
0x67: {  	_ =	shalt  }
0x68: {  	_ =	shalt  }
0x69: {  	_ =	shalt  }
0x6a: {  	_ =	shalt  }
0x6b: {  	_ =	shalt  }
0x6c: {  	_ =	shalt  }
0x6d: {  	_ =	shalt  }
0x6e: {  	_ =	shalt  }
0x6f: {  	_ =	shalt  }
0x70: {  	_ =	shalt  }
0x71: {  	_ =	shalt  }
0x72: {  	_ =	shalt  }
0x73: {  	_ =	shalt  }
0x74: {  	_ =	shalt  }
0x75: {  	_ =	shalt  }
0x76: {  	_ =	shalt  }
0x77: {  	_ =	shalt  }
0x78: {  	_ =	shalt  }
0x79: {  	_ =	shalt  }
0x7a: {  	_ =	shalt  }
0x7b: {  	_ =	shalt  }
0x7c: {  	_ =	shalt  }
0x7d: {  	_ =	shalt  }
0x7e: {  	_ =	shalt  }
0x7f: {  	_ =	shalt  }
0x80: {  	_ =	shalt  }
0x81: {  	_ =	shalt  }
0x82: {  	_ =	shalt  }
0x83: {  	_ =	shalt  }
0x84: {  	_ =	shalt  }
0x85: {  	_ =	shalt  }
0x86: {  	_ =	shalt  }
0x87: {  	_ =	shalt  }
.Lfunc_end0:
.L_simem_size_0:
called_computation.1_lowered:
.L_overlay_start_0:
0x88: {  	s2 =	sld [smem:$0x3FD9]  }
0x89: {  	s3 =	sld [smem:$0x3FFE];
	_ =	sdelay $0x1  }
0x8a: {  	s1 =	srdreg.scid  }
0x8b: {  	s0 =	sand.u32 $0x1, s1  }
0x8c: {  	s17 =	sshll.u32 s0, $0xA;
	s2 =	sadd.s32 s3, s2  }
0x8d: {  	s2 =	sadd.s32 s2, s17  }
0x8e: {  	[smem:$0x3FC4] =	sst s2  }
0x8f: {  	_ = 	snop  }
0x90: {  	s2 =	sld [smem:$0x3FD0];
	(tm) =	ssettm $0x1  }
0x91: {  	s18 =	sld [smem:$0x3FFB];
	_ =	sdelay $0x3  }
0x92: {  	_ =	strace s18  }
0x93: {  	s3 =	sld [smem:$0x3FFC];
	_ =	sdelay $0x3  }
0x94: {  	_ =	strace s3  }
0x95: {  	s3 =	sld [smem:$0x3FFD];
	_ =	sdelay $0x3  }
0x96: {  	_ =	strace s3  }
0x97: {  	_ =	strace $0x8FFFFFFF  }
0x98: {  	s19 =	sld [smem:$0x3FDB];
	_ =	sdelay $0x1  }
0x99: {  	s4 =	simm.s32 $_scs_section_size  }
0x9a: {  	s5 =	simm.s32 $_size__tile_overlayer_lowered;
	s6 =	simm.s32 $_tile_overlayer_lowered  }
0x9b: {  	s22 =	simm.s32 $0x1BFF;
	s21 =	sshll.u32 s6, $0x1;
	s3 =	sadd.s32 s4, s19  }
0x9c: {  	s7 =	simm.s32 $0x0;
	s20 =	sshll.u32 s5, $0x1;
	s5 =	sadd.s32 s21, s3  }
0x9d: {  	[timem:s7], [sflag:s22] =	dma.local [hbm:s5], s20  }
0x9e: {  	_ =	swait.ge [sflag:s22], s20  }
0x9f: {  	s4 =	ssub.s32 $0x0, s20;
	[sflag:s22] =	ssyncset.done $0x0  }
0xa0: {  	[sflag:s22] =	ssyncadd.s32 s4;
	_ =	sdelay $0x1  }
0xa1: {  	s23 =	simm.s32 $0x1B8B  }
0xa2: {  	_ =	swait.ge [sflag:s23], $0x1  }
0xa3: {  	[sflag:s23] =	ssyncset.done $0x0  }
0xa4: {  	s25 =	simm.s32 $0x1B8E;
	s24 =	sld [smem:$0x3FFE];
	[sflag:s23] =	ssyncadd.s32 $0xFFFFFFFF  }
0xa5: {  	s26 =	simm.s32 $execute0_lowered;
	[smem:$0x3FD2] =	sst s25  }
0xa6: {  	s5 =	sshll.u32 s26, $0x1;
	_ =	strace $0x80000049;
	[dreg:$0x1] =	wrdreg $0xFFFFFFFF  }
0xa7: {  	s28 =	simm.s32 $_size_execute0_lowered;
	s3 =	sadd.s32 s3, s5;
	[dreg:$0x0] =	wrdreg $0x0  }
0xa8: {  	s5 =	sshll.u32 s28, $0x1;
	[dreg:$0x2] =	wrdreg s3  }
0xa9: {  	[dreg:$0x3] =	wrdreg s5  }
0xaa: {  	[dreg:$0x4] =	wrdreg $0xC0  }
0xab: {  	_ =	task [dreg:s7], $0x5FFFF  }
0xac: {  	[dreg:$0x1] =	wrdreg $0xFFFFFFFF  }
0xad: {  	[dreg:$0x0] =	wrdreg $0x60  }
0xae: {  	[dreg:$0x2] =	wrdreg s24  }
0xaf: {  	[dreg:$0x3] =	wrdreg s2  }
0xb0: {  	[dreg:$0x4] =	wrdreg $0x90000  }
0xb1: {  	[dreg:$0x5] =	wrdreg $0x9  }
0xb2: {  	_ =	task.clear_ibuf [dreg:s7], $0x6FFFF;
	_ =	strace $0x90000049  }
0xb3: {  	s29 =	simm.s32 $0x9;
	_ =	strace $0x8000004B  }
0xb4: {  	_ =	swait.ge [sflag:s29], $0x1  }
0xb5: {  	[sflag:s29] =	ssyncadd.s32 $0xFFFFFFFF  }
0xb6: {  	_ =	strace $0x9000004B  }
0xb7: {  	_ =	sfence  }
0xb8: {  	s30 =	sld [smem:$0x0];
	_ =	sdelay $0x2  }
0xb9: {  	s31 =	sshll.u32 s1, $0xD;
	s1 =	sshrl.u32 s1, $0x2  }
0xba: {  	s3 =	sand.u32 $0x4000, s31;
	s1 =	sadd.s32 s1, s30  }
0xbb: {  	s0 =	sor.u32 s3, s0;
	s1 =	sshll.u32 s1, $0x11  }
0xbc: {  	s0 =	sor.u32 s1, s0  }
0xbd: {  	s0 =	sadd.s32 $0x8F2B, s0  }
0xbe: {  	[sflag:s0] =	ssyncadd.remote.s32 $0x1  }
0xbf: {  	_ =	sfence.sel $0xFFFF  }
0xc0: {  	[dreg:$0x0] =	wrdreg $0xFFFFFFFF;
	(pc) =	sbr.abs _section_cstart, $3  }
0xc1: {  	[dreg:$0x1] =	wrdreg $0xFFFFFFFF  }
0xc2: {  	_ =	task.clear_ibuf [dreg:s7], $0x2FFFF;
	_ =	strace $0x9FFFFFFF  }
0xc3: {  	(tm) =	ssettm $0x7FFFFFFF  }
tec
execute0_lowered:
.L_overlay_start_1:
0x0: {  	(tag) =	ssettag $0x1  }
0x1: {  	s6 =	rddreg [dreg:$0x0]  }
0x2: {  	s7 =	rddreg [dreg:$0x1]  }
0x3: {  	s0 =	srdreg.scid;
	s2 =	rddreg [dreg:$0x2]  }
0x4: {  	s3 =	simm.s32 $0x0;
	s14 =	simm.s32 $0x80;
	s15 =	simm.s32 $0x5000  }
0x5: {  	s16 =	simm.s32 $0x1;
	s5 =	sand.u32 $0x1, s0;
	s0 =	stileid.u32  }
0x6: {  	s17 =	simm.s32 $0x0;
	[smem:$0x7FF] =	sst s3;
	s9 =	smul.u32 $0x140000, s5  }
0x7: {  	s4 =	sadd.s32 $0x5C600, s6;
	s1 =	sshll.u32 s5, $0x4;
	s10 =	smul.u32 $0x14000, s0  }
0x8: {  	s29 =	ssub.s32 $0x2, s5;
	s13 =	smul.u32 $0x50000, s0;
	s5 =	sadd.s32 $0x84600, s6  }
0x9: {  	s31 =	sshll.u32 s0, $0x6;
	s1 =	sor.u32 s0, s1;
	s12 =	sshrl.u32 s29, $0x1  }
0xa: {  	s8 =	smul.u32 $0x500, s1;
	s1 =	rddreg [dreg:$0x3];
	_ =	strace $0x8000004A  }
0xb: {  	s9 =	sadd.s32 s10, s9;
	s10 =	ssub.s32 s29, s12;
	s30 =	sshrl.u32 s13, $0x2  }
0xc: {  	s12 =	sor.u32 $0x1C02, s31;
	s9 =	sshrl.u32 s9, $0x3;
	s13 =	sadd.s32 s30, s2  }
0xd: {  	s11 =	sadd.s32 s8, s6;
	s9 =	sadd.s32 s9, s6;
	s7 =	sadd.s32 s7, s8  }
0xe: {  	s13 =	sshrl.u32 s13, $0x3;
	s6 =	sadd.s32 $0x2600, s11;
	s8 =	sadd.s32 $0x86E00, s9  }
0xf: {  	s9 =	smax.u32 s10, $0x1;
	s10 =	simm.s32 $0x2;
	s11 =	simm.s32 $0x2800  }
.LBB2_1:
0x10: {  	[tilespmem:s3], [sflag:$0x2] =	stream.linear.gather [hbm4b:s6+s3], $0x2800, $0x38;
	[tilespmem:$0x1D000] =	vst v63  }
0x11: {  	_ =	swait.ge [sflag:s10], $0x2800  }
0x12: {  	[sflag:s10] =	ssyncset.done $0x0  }
0x13: {  	[sflag:s10] =	ssyncadd.s32 $0xFFFFD800  }
0x14: {  	[tilespmem:s11], [sflag:$0x2] =	stream.linear.gather [hbm4b:s7+s3], $0x2800, $0x38;
	[tilespmem:$0x1D000] =	vst v63  }
0x15: {  	_ =	swait.ge [sflag:s10], $0x2800  }
0x16: {  	[sflag:s10] =	ssyncset.done $0x0  }
0x17: {  	[sflag:s10] =	ssyncadd.s32 $0xFFFFD800  }
0x18: {  	[spmem:s13], [sflag:s12] =	dma.local [hbm:s5], $0x2800  }
0x19: {  	_ =	swait.ge [sflag:s10], $0x2800  }
0x1a: {  	[sflag:s10] =	ssyncset.done $0x0  }
0x1b: {  	[sflag:s10] =	ssyncadd.s32 $0xFFFFD800  }
0x1c: {  	s18 =	simm.s32 $0x0;
	[bflag:$0x0] =	sbarrier.arrive $0xFFFF  }
0x1d: {  	[tilespmem:s15], [sflag:$0x1] =	stream.indirect.gather [hbm4b:s4+s14], $0x80, s18, s14, $0xb8;
	[tilespmem:$0x1D000] =	vst v63  }
0x1e: {  	_ =	swait.ge [sflag:s16], $0x4000  }
0x1f: {  	[sflag:s16] =	ssyncset.done $0x0  }
0x20: {  	s31 =	simm.s32 $0x2800;
	[sflag:s16] =	ssyncadd.s32 $0xFFFFC000  }
0x21: {  	[spmem:s2] =	stream.indirect.scatter.add.f32 [tilespmem:s15], [sflag:$0x2], $0x80, s31, s14, $0xb8;
	[tilespmem:$0x1D000] =	vst v63  }
0x22: {  	_ =	swait.ge [sflag:s10], $0x4000  }
0x23: {  	s19 =	simm.s32 $0x400;
	s18 =	simm.s32 $0x200;
	[sflag:s10] =	ssyncset.done $0x0  }
.LBB2_2:
0x24: {  	s20 =	sshra.s32 s18, $0x2  }
0x25: {  	[sflag:s10] =	ssyncadd.s32 $0xFFFFC000;
	s18 =	smov.u32 s19;
	s21 =	sadd.s32 $0x200, s19  }
0x26: {  	[tilespmem:s15], [sflag:$0x1] =	stream.indirect.gather [hbm4b:s4+s14], $0x80, s20, s14, $0xb8;
	[tilespmem:$0x1D000] =	vst v63  }
0x27: {  	p0 =	sne.s32 s19, $0x9E00;
	_ =	swait.ge [sflag:s16], $0x4000  }
.Ltmp0:
0x28: {  	[sflag:s16] =	ssyncset.done $0x0;
	(pc) =	sbr.rel @p0 .LBB2_2-.Ltmp0, $4  }
0x29: {  	s19 =	sadd.s32 $0x2800, s20;
	[sflag:s16] =	ssyncadd.s32 $0xFFFFC000  }
0x2a: {  	[spmem:s2] =	stream.indirect.scatter.add.f32 [tilespmem:s15], [sflag:$0x2], $0x80, s19, s14, $0xb8;
	[tilespmem:$0x1D000] =	vst v63  }
0x2b: {  	_ =	swait.ge [sflag:s10], $0x4000  }
0x2c: {  	s19 =	smov.u32 s21;
	[sflag:s10] =	ssyncset.done $0x0  }
0x2d: {  	s18 =	sshra.s32 s18, $0x2;
	[sflag:s10] =	ssyncadd.s32 $0xFFFFC000  }
0x2e: {  	[tilespmem:s15], [sflag:$0x1] =	stream.indirect.gather [hbm4b:s4+s14], $0x80, s18, s14, $0xb8;
	[tilespmem:$0x1D000] =	vst v63  }
0x2f: {  	_ =	swait.ge [sflag:s16], $0x4000  }
0x30: {  	[sflag:s16] =	ssyncset.done $0x0  }
0x31: {  	s18 =	sadd.s32 $0x2800, s18;
	[sflag:s16] =	ssyncadd.s32 $0xFFFFC000  }
0x32: {  	[spmem:s2] =	stream.indirect.scatter.add.f32 [tilespmem:s15], [sflag:$0x2], $0x80, s18, s14, $0xb8;
	[tilespmem:$0x1D000] =	vst v63  }
0x33: {  	_ =	swait.ge [sflag:s10], $0x4000  }
0x34: {  	s17 =	sadd.s32 $0x1, s17;
	[sflag:s10] =	ssyncset.done $0x0  }
0x35: {  	p0 =	sne.s32 s17, s9;
	[sflag:s10] =	ssyncadd.s32 $0xFFFFC000  }
.Ltmp1:
0x36: {  	[bflag:$0x0] =	sbarrier.arrive $0xFFFF;
	(pc) =	sbr.rel @p0 .LBB2_1-.Ltmp1, $4  }
0x37: {  	[hbm:s8], [sflag:s12] =	dma.local [spmem:s13], $0x2800  }
0x38: {  	_ =	swait.ge [sflag:s10], $0x2800  }
0x39: {  	[sflag:s10] =	ssyncset.done $0x0  }
0x3a: {  	[sflag:s10] =	ssyncadd.s32 $0xFFFFD800  }
0x3b: {  	_ =	sfence.sel $0x180000  }
0x3c: {  	[bflag:$0x0] =	sbarrier.arrive $0xFFFF  }
0x3d: {  	p0 =	sne.s32 s0, $0x0;
	_ =	strace $0x9000004A  }
0x3e: {  	s0 =	sadd.s32 @!p0 $0x100000, s1;
	[bflag:$0x2] =	sbarrier.arrive $0xFFFF  }
0x3f: {  	[sflag:s0] =	ssyncadd.tile.s32 @!p0 $0x1;
	_ =	shalt  }
.Lfunc_end2:
_tile_overlayer_lowered:
.L_overlay_start_2:
0x40: {  	(tag) =	ssettag $0x2  }
0x41: {  	s0 =	rddreg [dreg:$0x0];
	s2 =	stileid.u32  }
0x42: {  	s1 =	rddreg [dreg:$0x1];
	p0 =	sne.s32 s2, $0x0  }
0x43: {  	s3 =	rddreg [dreg:$0x2];
	[bflag:$0x3] =	sbarrier.arrive $0xFFFF;
	s2 =	simm.s32 @!p0 $0x1C02  }
0x44: {  	[timem:s3], [sflag:s2] =	dma.local @!p0 [hbm:s0], s1  }
0x45: {  	s0 =	simm.s32 @!p0 $0x2  }
0x46: {  	_ =	swait.ge @!p0 [sflag:s0], s1  }
0x47: {  	s1 =	ssub.s32 @!p0 $0x0, s1;
	[sflag:s0] =	ssyncset.done @!p0 $0x0  }
0x48: {  	[sflag:s0] =	ssyncadd.s32 @!p0 s1  }
0x49: {  	[bflag:$0x3] =	sbarrier.arrive $0xFFFF  }
0x4a: {  	_ =	shalt  }

// kernel: kernel.14.cloned.1.call-start
scs
__scs_entry_jumppad:
0x0: {  	(pc) =	sbr.rel $0x88, $3  }
0x1: {  	(tag) =	ssettag $0x0;
	lr =	simm.s32 $0x1  }
0x2: {  	[smem:$0x3F9D] =	sst lr;
	_ =	strace $0xD0000000  }
0x3: {  	_ = 	snop  }
0x4: {  	_ = 	snop  }
0x5: {  	_ = 	snop  }
0x6: {  	_ = 	snop  }
0x7: {  	_ = 	snop  }
__scs_overlays_trampoline_lowered:
0x8: {  	[smem:$0x3FAC] =	sst s0  }
0x9: {  	[smem:$0x3FAD] =	sst s1  }
0xa: {  	[smem:$0x3FAE] =	sst s2  }
0xb: {  	[smem:$0x3FAF] =	sst s3  }
0xc: {  	[smem:$0x3FB0] =	sst s4  }
0xd: {  	[smem:$0x3FB1] =	sst s5  }
0xe: {  	[smem:$0x3FB2] =	sst s6  }
0xf: {  	[smem:$0x3FB3] =	sst s7  }
0x10: {  	[smem:$0x3FB4] =	sst s8  }
0x11: {  	[smem:$0x3FB5] =	sst s9;
	s0 =	simm.s32 @!p0 $0x0  }
0x12: {  	s1 =	sld [smem:$0x3F9B];
	s0 =	simm.s32 @p0 $0x1  }
0x13: {  	[smem:$0x3FB6] =	sst s0;
	s0 =	simm.s32 @!p1 $0x0  }
0x14: {  	s2 =	sld [smem:$0x3F9A];
	s0 =	simm.s32 @p1 $0x1  }
0x15: {  	[smem:$0x3FB7] =	sst s0;
	s0 =	simm.s32 @!p2 $0x0  }
0x16: {  	s3 =	sld [smem:$0x3FDB];
	s0 =	simm.s32 @p2 $0x1  }
0x17: {  	s4 =	simm.s32 $0x1BF5;
	[smem:$0x3FB9] =	sst s0  }
0x18: {  	s0 =	sld [smem:$0x3F9C];
	_ =	swait.ge [sflag:s4], $0x0  }
0x19: {  	s7 =	sld [smem:$0x3F9D]  }
0x1a: {  	s8 =	sadd.s32 $0xFFFFE003, lr  }
0x1b: {  	s9 =	sadd.s32 $0xFFFFFEF7, lr;
	s5 =	simm.s32 $0xFFFFFFFF;
	p2 =	slt.u32 s8, $0xFFFFF086  }
0x1c: {  	p1 =	slt.u32 s9, $0xF7A;
	s5 =	simm.s32 @!p2 $0x0  }
0x1d: {  	s5 =	simm.s32 @p1 $0x1;
	p0 =	seq.s32 s7, s2  }
0x1e: {  	s7 =	smul.u32 @!p0 $0xF7A, s2;
	p2 =	seq.s32 @!p0 s5, $0x0  }
0x1f: {  	s9 =	smul.u32 $0xF7A, s1;
	s8 =	simm.s32 @!p0 $0x1BF5;
	p2 =	por !p2, p0  }
0x20: {  	[sflag:s8] =	ssyncset.s32 @!p0 $0xFFFFF086;
	s6 =	sadd.s32 @!p0 s3, s7;
	s7 =	simm.s32 @!p0 $0x108  }
0x21: {  	s3 =	sadd.s32 s3, s9;
	s6 =	sadd.s32 @!p0 $0x88, s6;
	s7 =	simm.s32 @p2 $0x1082  }
0x22: {  	[simem:s7], [sflag:s8] =	dma.local @!p0 [hbm:s6], $0xF7A  }
0x23: {  	s9 =	sor.u32 $0xD0000000, s2;
	s6 =	simm.s32 $0x108;
	_ =	swait.ge @!p0 [sflag:s8], $0x0  }
0x24: {  	s3 =	sadd.s32 $0x88, s3;
	s6 =	simm.s32 @!p1 $0x1082;
	[sflag:s4] =	ssyncset.s32 $0xFFFFF086  }
0x25: {  	[simem:s6], [sflag:s4] =	dma.local [hbm:s3], $0xF7A  }
0x26: {  	[smem:$0x3F9D] =	sst s1;
	(tag) =	ssettag s2;
	_ =	strace s9  }
0x27: {  	s1 =	sld [smem:$0x3FAD]  }
0x28: {  	s2 =	sld [smem:$0x3FAE]  }
0x29: {  	s4 =	sld [smem:$0x3FB0]  }
0x2a: {  	p0 =	seq.s32 s5, $0x0;
	s5 =	sld [smem:$0x3FB1]  }
0x2b: {  	s6 =	sld [smem:$0x3FB2]  }
0x2c: {  	s7 =	sld [smem:$0x3FB3]  }
0x2d: {  	s3 =	simm.s32 $0x108;
	s8 =	sld [smem:$0x3FB4]  }
0x2e: {  	s3 =	simm.s32 @!p0 $0x1082;
	s9 =	sld [smem:$0x3FB5]  }
0x2f: {  	lr =	sadd.s32 s0, s3;
	s0 =	sld [smem:$0x3FAC]  }
0x30: {  	s3 =	sld [smem:$0x3FAF]  }
0x31: {  	[smem:$0x3FB8] =	sst s10  }
0x32: {  	s10 =	sld [smem:$0x3FB6];
	_ =	sdelay $0x3  }
0x33: {  	p0 =	seq.s32 s10, $0x1;
	s10 =	sld [smem:$0x3FB8];
	_ =	sdelay $0x3  }
0x34: {  	[smem:$0x3FB8] =	sst s10  }
0x35: {  	s10 =	sld [smem:$0x3FB7];
	_ =	sdelay $0x3  }
0x36: {  	p1 =	seq.s32 s10, $0x1;
	s10 =	sld [smem:$0x3FB8];
	_ =	sdelay $0x3  }
0x37: {  	[smem:$0x3FB8] =	sst s10  }
0x38: {  	s10 =	sld [smem:$0x3FB9]  }
0x39: {  	_ = 	snop;
	(pc) =	sbr.ind lr, $3  }
0x3a: {  	_ = 	snop  }
0x3b: {  	_ = 	snop  }
0x3c: {  	p2 =	seq.s32 s10, $0x1;
	s10 =	sld [smem:$0x3FB8]  }
0x3d: {  	_ =	shalt  }
0x3e: {  	_ =	shalt  }
0x3f: {  	_ =	shalt  }
0x40: {  	_ =	shalt  }
0x41: {  	_ =	shalt  }
0x42: {  	_ =	shalt  }
0x43: {  	_ =	shalt  }
0x44: {  	_ =	shalt  }
0x45: {  	_ =	shalt  }
0x46: {  	_ =	shalt  }
0x47: {  	_ =	shalt  }
0x48: {  	_ =	shalt  }
0x49: {  	_ =	shalt  }
0x4a: {  	_ =	shalt  }
0x4b: {  	_ =	shalt  }
0x4c: {  	_ =	shalt  }
0x4d: {  	_ =	shalt  }
0x4e: {  	_ =	shalt  }
0x4f: {  	_ =	shalt  }
0x50: {  	_ =	shalt  }
0x51: {  	_ =	shalt  }
0x52: {  	_ =	shalt  }
0x53: {  	_ =	shalt  }
0x54: {  	_ =	shalt  }
0x55: {  	_ =	shalt  }
0x56: {  	_ =	shalt  }
0x57: {  	_ =	shalt  }
0x58: {  	_ =	shalt  }
0x59: {  	_ =	shalt  }
0x5a: {  	_ =	shalt  }
0x5b: {  	_ =	shalt  }
0x5c: {  	_ =	shalt  }
0x5d: {  	_ =	shalt  }
0x5e: {  	_ =	shalt  }
0x5f: {  	_ =	shalt  }
0x60: {  	_ =	shalt  }
0x61: {  	_ =	shalt  }
0x62: {  	_ =	shalt  }
0x63: {  	_ =	shalt  }
0x64: {  	_ =	shalt  }
0x65: {  	_ =	shalt  }
0x66: {  	_ =	shalt  }
0x67: {  	_ =	shalt  }
0x68: {  	_ =	shalt  }
0x69: {  	_ =	shalt  }
0x6a: {  	_ =	shalt  }
0x6b: {  	_ =	shalt  }
0x6c: {  	_ =	shalt  }
0x6d: {  	_ =	shalt  }
0x6e: {  	_ =	shalt  }
0x6f: {  	_ =	shalt  }
0x70: {  	_ =	shalt  }
0x71: {  	_ =	shalt  }
0x72: {  	_ =	shalt  }
0x73: {  	_ =	shalt  }
0x74: {  	_ =	shalt  }
0x75: {  	_ =	shalt  }
0x76: {  	_ =	shalt  }
0x77: {  	_ =	shalt  }
0x78: {  	_ =	shalt  }
0x79: {  	_ =	shalt  }
0x7a: {  	_ =	shalt  }
0x7b: {  	_ =	shalt  }
0x7c: {  	_ =	shalt  }
0x7d: {  	_ =	shalt  }
0x7e: {  	_ =	shalt  }
0x7f: {  	_ =	shalt  }
0x80: {  	_ =	shalt  }
0x81: {  	_ =	shalt  }
0x82: {  	_ =	shalt  }
0x83: {  	_ =	shalt  }
0x84: {  	_ =	shalt  }
0x85: {  	_ =	shalt  }
0x86: {  	_ =	shalt  }
0x87: {  	_ =	shalt  }
.Lfunc_end0:
.L_simem_size_0:
called_computation.2_lowered:
.L_overlay_start_0:
0x88: {  	s2 =	sld [smem:$0x3FD9]  }
0x89: {  	s3 =	sld [smem:$0x3FFE];
	_ =	sdelay $0x1  }
0x8a: {  	s1 =	srdreg.scid  }
0x8b: {  	s0 =	sand.u32 $0x1, s1  }
0x8c: {  	s17 =	sshll.u32 s0, $0xA;
	s2 =	sadd.s32 s3, s2  }
0x8d: {  	s2 =	sadd.s32 s2, s17  }
0x8e: {  	[smem:$0x3FC4] =	sst s2  }
0x8f: {  	_ = 	snop  }
0x90: {  	s2 =	sld [smem:$0x3FD0];
	(tm) =	ssettm $0x1  }
0x91: {  	s18 =	sld [smem:$0x3FFB];
	_ =	sdelay $0x3  }
0x92: {  	_ =	strace s18  }
0x93: {  	s3 =	sld [smem:$0x3FFC];
	_ =	sdelay $0x3  }
0x94: {  	_ =	strace s3  }
0x95: {  	s3 =	sld [smem:$0x3FFD];
	_ =	sdelay $0x3  }
0x96: {  	_ =	strace s3  }
0x97: {  	_ =	strace $0x8FFFFFFF  }
0x98: {  	s19 =	sld [smem:$0x3FDB];
	_ =	sdelay $0x1  }
0x99: {  	s4 =	simm.s32 $_scs_section_size  }
0x9a: {  	s5 =	simm.s32 $_size__tile_overlayer_lowered;
	s6 =	simm.s32 $_tile_overlayer_lowered  }
0x9b: {  	s22 =	simm.s32 $0x1BFF;
	s21 =	sshll.u32 s6, $0x1;
	s3 =	sadd.s32 s4, s19  }
0x9c: {  	s7 =	simm.s32 $0x0;
	s20 =	sshll.u32 s5, $0x1;
	s5 =	sadd.s32 s21, s3  }
0x9d: {  	[timem:s7], [sflag:s22] =	dma.local [hbm:s5], s20  }
0x9e: {  	_ =	swait.ge [sflag:s22], s20  }
0x9f: {  	s4 =	ssub.s32 $0x0, s20;
	[sflag:s22] =	ssyncset.done $0x0  }
0xa0: {  	[sflag:s22] =	ssyncadd.s32 s4;
	_ =	sdelay $0x1  }
0xa1: {  	s23 =	simm.s32 $0x1B8B  }
0xa2: {  	_ =	swait.ge [sflag:s23], $0x1  }
0xa3: {  	[sflag:s23] =	ssyncset.done $0x0  }
0xa4: {  	s25 =	simm.s32 $0x1B8E;
	s24 =	sld [smem:$0x3FFE];
	[sflag:s23] =	ssyncadd.s32 $0xFFFFFFFF  }
0xa5: {  	s26 =	simm.s32 $execute0_lowered;
	[smem:$0x3FD2] =	sst s25  }
0xa6: {  	s5 =	sshll.u32 s26, $0x1;
	_ =	strace $0x8000004C;
	[dreg:$0x1] =	wrdreg $0xFFFFFFFF  }
0xa7: {  	s28 =	simm.s32 $_size_execute0_lowered;
	s3 =	sadd.s32 s3, s5;
	[dreg:$0x0] =	wrdreg $0x0  }
0xa8: {  	s5 =	sshll.u32 s28, $0x1;
	[dreg:$0x2] =	wrdreg s3  }
0xa9: {  	[dreg:$0x3] =	wrdreg s5  }
0xaa: {  	[dreg:$0x4] =	wrdreg $0xC0  }
0xab: {  	_ =	task [dreg:s7], $0x5FFFF  }
0xac: {  	[dreg:$0x1] =	wrdreg $0xFFFFFFFF  }
0xad: {  	[dreg:$0x0] =	wrdreg $0x60  }
0xae: {  	[dreg:$0x2] =	wrdreg s24  }
0xaf: {  	[dreg:$0x3] =	wrdreg s2  }
0xb0: {  	[dreg:$0x4] =	wrdreg $0x90000  }
0xb1: {  	[dreg:$0x5] =	wrdreg $0x9  }
0xb2: {  	_ =	task.clear_ibuf [dreg:s7], $0x6FFFF;
	_ =	strace $0x9000004C  }
0xb3: {  	s29 =	simm.s32 $0x9;
	_ =	strace $0x8000004E  }
0xb4: {  	_ =	swait.ge [sflag:s29], $0x1  }
0xb5: {  	[sflag:s29] =	ssyncadd.s32 $0xFFFFFFFF  }
0xb6: {  	_ =	strace $0x9000004E  }
0xb7: {  	_ =	sfence  }
0xb8: {  	s30 =	sld [smem:$0x0];
	_ =	sdelay $0x2  }
0xb9: {  	s31 =	sshll.u32 s1, $0xD;
	s1 =	sshrl.u32 s1, $0x2  }
0xba: {  	s3 =	sand.u32 $0x4000, s31;
	s1 =	sadd.s32 s1, s30  }
0xbb: {  	s0 =	sor.u32 s3, s0;
	s1 =	sshll.u32 s1, $0x11  }
0xbc: {  	s0 =	sor.u32 s1, s0  }
0xbd: {  	s0 =	sadd.s32 $0x8F2B, s0  }
0xbe: {  	[sflag:s0] =	ssyncadd.remote.s32 $0x1  }
0xbf: {  	_ =	sfence.sel $0xFFFF  }
0xc0: {  	[dreg:$0x0] =	wrdreg $0xFFFFFFFF;
	(pc) =	sbr.abs _section_cstart, $3  }
0xc1: {  	[dreg:$0x1] =	wrdreg $0xFFFFFFFF  }
0xc2: {  	_ =	task.clear_ibuf [dreg:s7], $0x2FFFF;
	_ =	strace $0x9FFFFFFF  }
0xc3: {  	(tm) =	ssettm $0x7FFFFFFF  }
tec
execute0_lowered:
.L_overlay_start_1:
0x0: {  	(tag) =	ssettag $0x1  }
0x1: {  	s6 =	rddreg [dreg:$0x0]  }
0x2: {  	s7 =	rddreg [dreg:$0x1]  }
0x3: {  	s0 =	srdreg.scid;
	s2 =	rddreg [dreg:$0x2]  }
0x4: {  	s3 =	simm.s32 $0x0;
	s14 =	simm.s32 $0x80;
	s15 =	simm.s32 $0x5000  }
0x5: {  	s16 =	simm.s32 $0x1;
	s5 =	sand.u32 $0x1, s0;
	s0 =	stileid.u32  }
0x6: {  	s17 =	simm.s32 $0x0;
	[smem:$0x7FF] =	sst s3;
	s9 =	smul.u32 $0x140000, s5  }
0x7: {  	s4 =	sadd.s32 $0x5C600, s6;
	s1 =	sshll.u32 s5, $0x4;
	s10 =	smul.u32 $0x14000, s0  }
0x8: {  	s29 =	ssub.s32 $0x2, s5;
	s13 =	smul.u32 $0x50000, s0;
	s5 =	sadd.s32 $0x84600, s6  }
0x9: {  	s31 =	sshll.u32 s0, $0x6;
	s1 =	sor.u32 s0, s1;
	s12 =	sshrl.u32 s29, $0x1  }
0xa: {  	s8 =	smul.u32 $0x500, s1;
	s1 =	rddreg [dreg:$0x3];
	_ =	strace $0x8000004D  }
0xb: {  	s9 =	sadd.s32 s10, s9;
	s10 =	ssub.s32 s29, s12;
	s30 =	sshrl.u32 s13, $0x2  }
0xc: {  	s12 =	sor.u32 $0x1C02, s31;
	s9 =	sshrl.u32 s9, $0x3;
	s13 =	sadd.s32 s30, s2  }
0xd: {  	s11 =	sadd.s32 s8, s6;
	s9 =	sadd.s32 s9, s6;
	s7 =	sadd.s32 s7, s8  }
0xe: {  	s13 =	sshrl.u32 s13, $0x3;
	s6 =	sadd.s32 $0x2600, s11;
	s8 =	sadd.s32 $0x86E00, s9  }
0xf: {  	s9 =	smax.u32 s10, $0x1;
	s10 =	simm.s32 $0x2;
	s11 =	simm.s32 $0x2800  }
.LBB2_1:
0x10: {  	[tilespmem:s3], [sflag:$0x2] =	stream.linear.gather [hbm4b:s6+s3], $0x2800, $0x38;
	[tilespmem:$0x1D000] =	vst v63  }
0x11: {  	_ =	swait.ge [sflag:s10], $0x2800  }
0x12: {  	[sflag:s10] =	ssyncset.done $0x0  }
0x13: {  	[sflag:s10] =	ssyncadd.s32 $0xFFFFD800  }
0x14: {  	[tilespmem:s11], [sflag:$0x2] =	stream.linear.gather [hbm4b:s7+s3], $0x2800, $0x38;
	[tilespmem:$0x1D000] =	vst v63  }
0x15: {  	_ =	swait.ge [sflag:s10], $0x2800  }
0x16: {  	[sflag:s10] =	ssyncset.done $0x0  }
0x17: {  	[sflag:s10] =	ssyncadd.s32 $0xFFFFD800  }
0x18: {  	[spmem:s13], [sflag:s12] =	dma.local [hbm:s5], $0x2800  }
0x19: {  	_ =	swait.ge [sflag:s10], $0x2800  }
0x1a: {  	[sflag:s10] =	ssyncset.done $0x0  }
0x1b: {  	[sflag:s10] =	ssyncadd.s32 $0xFFFFD800  }
0x1c: {  	s18 =	simm.s32 $0x0;
	[bflag:$0x0] =	sbarrier.arrive $0xFFFF  }
0x1d: {  	[tilespmem:s15], [sflag:$0x1] =	stream.indirect.gather [hbm4b:s4+s14], $0x80, s18, s14, $0xb8;
	[tilespmem:$0x1D000] =	vst v63  }
0x1e: {  	_ =	swait.ge [sflag:s16], $0x4000  }
0x1f: {  	[sflag:s16] =	ssyncset.done $0x0  }
0x20: {  	s31 =	simm.s32 $0x2800;
	[sflag:s16] =	ssyncadd.s32 $0xFFFFC000  }
0x21: {  	[spmem:s2] =	stream.indirect.scatter.add.f32 [tilespmem:s15], [sflag:$0x2], $0x80, s31, s14, $0xb8;
	[tilespmem:$0x1D000] =	vst v63  }
0x22: {  	_ =	swait.ge [sflag:s10], $0x4000  }
0x23: {  	s19 =	simm.s32 $0x400;
	s18 =	simm.s32 $0x200;
	[sflag:s10] =	ssyncset.done $0x0  }
.LBB2_2:
0x24: {  	s20 =	sshra.s32 s18, $0x2  }
0x25: {  	[sflag:s10] =	ssyncadd.s32 $0xFFFFC000;
	s18 =	smov.u32 s19;
	s21 =	sadd.s32 $0x200, s19  }
0x26: {  	[tilespmem:s15], [sflag:$0x1] =	stream.indirect.gather [hbm4b:s4+s14], $0x80, s20, s14, $0xb8;
	[tilespmem:$0x1D000] =	vst v63  }
0x27: {  	p0 =	sne.s32 s19, $0x9E00;
	_ =	swait.ge [sflag:s16], $0x4000  }
.Ltmp0:
0x28: {  	[sflag:s16] =	ssyncset.done $0x0;
	(pc) =	sbr.rel @p0 .LBB2_2-.Ltmp0, $4  }
0x29: {  	s19 =	sadd.s32 $0x2800, s20;
	[sflag:s16] =	ssyncadd.s32 $0xFFFFC000  }
0x2a: {  	[spmem:s2] =	stream.indirect.scatter.add.f32 [tilespmem:s15], [sflag:$0x2], $0x80, s19, s14, $0xb8;
	[tilespmem:$0x1D000] =	vst v63  }
0x2b: {  	_ =	swait.ge [sflag:s10], $0x4000  }
0x2c: {  	s19 =	smov.u32 s21;
	[sflag:s10] =	ssyncset.done $0x0  }
0x2d: {  	s18 =	sshra.s32 s18, $0x2;
	[sflag:s10] =	ssyncadd.s32 $0xFFFFC000  }
0x2e: {  	[tilespmem:s15], [sflag:$0x1] =	stream.indirect.gather [hbm4b:s4+s14], $0x80, s18, s14, $0xb8;
	[tilespmem:$0x1D000] =	vst v63  }
0x2f: {  	_ =	swait.ge [sflag:s16], $0x4000  }
0x30: {  	[sflag:s16] =	ssyncset.done $0x0  }
0x31: {  	s18 =	sadd.s32 $0x2800, s18;
	[sflag:s16] =	ssyncadd.s32 $0xFFFFC000  }
0x32: {  	[spmem:s2] =	stream.indirect.scatter.add.f32 [tilespmem:s15], [sflag:$0x2], $0x80, s18, s14, $0xb8;
	[tilespmem:$0x1D000] =	vst v63  }
0x33: {  	_ =	swait.ge [sflag:s10], $0x4000  }
0x34: {  	s17 =	sadd.s32 $0x1, s17;
	[sflag:s10] =	ssyncset.done $0x0  }
0x35: {  	p0 =	sne.s32 s17, s9;
	[sflag:s10] =	ssyncadd.s32 $0xFFFFC000  }
.Ltmp1:
0x36: {  	[bflag:$0x0] =	sbarrier.arrive $0xFFFF;
	(pc) =	sbr.rel @p0 .LBB2_1-.Ltmp1, $4  }
0x37: {  	[hbm:s8], [sflag:s12] =	dma.local [spmem:s13], $0x2800  }
0x38: {  	_ =	swait.ge [sflag:s10], $0x2800  }
0x39: {  	[sflag:s10] =	ssyncset.done $0x0  }
0x3a: {  	[sflag:s10] =	ssyncadd.s32 $0xFFFFD800  }
0x3b: {  	_ =	sfence.sel $0x180000  }
0x3c: {  	[bflag:$0x0] =	sbarrier.arrive $0xFFFF  }
0x3d: {  	p0 =	sne.s32 s0, $0x0;
	_ =	strace $0x9000004D  }
0x3e: {  	s0 =	sadd.s32 @!p0 $0x100000, s1;
	[bflag:$0x2] =	sbarrier.arrive $0xFFFF  }
0x3f: {  	[sflag:s0] =	ssyncadd.tile.s32 @!p0 $0x1;
	_ =	shalt  }
.Lfunc_end2:
_tile_overlayer_lowered:
.L_overlay_start_2:
0x40: {  	(tag) =	ssettag $0x2  }
0x41: {  	s0 =	rddreg [dreg:$0x0];
	s2 =	stileid.u32  }
0x42: {  	s1 =	rddreg [dreg:$0x1];
	p0 =	sne.s32 s2, $0x0  }
0x43: {  	s3 =	rddreg [dreg:$0x2];
	[bflag:$0x3] =	sbarrier.arrive $0xFFFF;
	s2 =	simm.s32 @!p0 $0x1C02  }
0x44: {  	[timem:s3], [sflag:s2] =	dma.local @!p0 [hbm:s0], s1  }
0x45: {  	s0 =	simm.s32 @!p0 $0x2  }
0x46: {  	_ =	swait.ge @!p0 [sflag:s0], s1  }
0x47: {  	s1 =	ssub.s32 @!p0 $0x0, s1;
	[sflag:s0] =	ssyncset.done @!p0 $0x0  }
0x48: {  	[sflag:s0] =	ssyncadd.s32 @!p0 s1  }
0x49: {  	[bflag:$0x3] =	sbarrier.arrive $0xFFFF  }
0x4a: {  	_ =	shalt  }

// kernel: kernel.8.cloned.1.call-start
scs
__scs_entry_jumppad:
0x0: {  	(pc) =	sbr.rel $0x88, $3  }
0x1: {  	(tag) =	ssettag $0x0;
	lr =	simm.s32 $0x1  }
0x2: {  	[smem:$0x3F9D] =	sst lr;
	_ =	strace $0xD0000000  }
0x3: {  	_ = 	snop  }
0x4: {  	_ = 	snop  }
0x5: {  	_ = 	snop  }
0x6: {  	_ = 	snop  }
0x7: {  	_ = 	snop  }
__scs_overlays_trampoline_lowered:
0x8: {  	[smem:$0x3FAC] =	sst s0  }
0x9: {  	[smem:$0x3FAD] =	sst s1  }
0xa: {  	[smem:$0x3FAE] =	sst s2  }
0xb: {  	[smem:$0x3FAF] =	sst s3  }
0xc: {  	[smem:$0x3FB0] =	sst s4  }
0xd: {  	[smem:$0x3FB1] =	sst s5  }
0xe: {  	[smem:$0x3FB2] =	sst s6  }
0xf: {  	[smem:$0x3FB3] =	sst s7  }
0x10: {  	[smem:$0x3FB4] =	sst s8  }
0x11: {  	[smem:$0x3FB5] =	sst s9;
	s0 =	simm.s32 @!p0 $0x0  }
0x12: {  	s1 =	sld [smem:$0x3F9B];
	s0 =	simm.s32 @p0 $0x1  }
0x13: {  	[smem:$0x3FB6] =	sst s0;
	s0 =	simm.s32 @!p1 $0x0  }
0x14: {  	s2 =	sld [smem:$0x3F9A];
	s0 =	simm.s32 @p1 $0x1  }
0x15: {  	[smem:$0x3FB7] =	sst s0;
	s0 =	simm.s32 @!p2 $0x0  }
0x16: {  	s3 =	sld [smem:$0x3FDB];
	s0 =	simm.s32 @p2 $0x1  }
0x17: {  	s4 =	simm.s32 $0x1BF5;
	[smem:$0x3FB9] =	sst s0  }
0x18: {  	s0 =	sld [smem:$0x3F9C];
	_ =	swait.ge [sflag:s4], $0x0  }
0x19: {  	s7 =	sld [smem:$0x3F9D]  }
0x1a: {  	s8 =	sadd.s32 $0xFFFFE003, lr  }
0x1b: {  	s9 =	sadd.s32 $0xFFFFFEF7, lr;
	s5 =	simm.s32 $0xFFFFFFFF;
	p2 =	slt.u32 s8, $0xFFFFF086  }
0x1c: {  	p1 =	slt.u32 s9, $0xF7A;
	s5 =	simm.s32 @!p2 $0x0  }
0x1d: {  	s5 =	simm.s32 @p1 $0x1;
	p0 =	seq.s32 s7, s2  }
0x1e: {  	s7 =	smul.u32 @!p0 $0xF7A, s2;
	p2 =	seq.s32 @!p0 s5, $0x0  }
0x1f: {  	s9 =	smul.u32 $0xF7A, s1;
	s8 =	simm.s32 @!p0 $0x1BF5;
	p2 =	por !p2, p0  }
0x20: {  	[sflag:s8] =	ssyncset.s32 @!p0 $0xFFFFF086;
	s6 =	sadd.s32 @!p0 s3, s7;
	s7 =	simm.s32 @!p0 $0x108  }
0x21: {  	s3 =	sadd.s32 s3, s9;
	s6 =	sadd.s32 @!p0 $0x88, s6;
	s7 =	simm.s32 @p2 $0x1082  }
0x22: {  	[simem:s7], [sflag:s8] =	dma.local @!p0 [hbm:s6], $0xF7A  }
0x23: {  	s9 =	sor.u32 $0xD0000000, s2;
	s6 =	simm.s32 $0x108;
	_ =	swait.ge @!p0 [sflag:s8], $0x0  }
0x24: {  	s3 =	sadd.s32 $0x88, s3;
	s6 =	simm.s32 @!p1 $0x1082;
	[sflag:s4] =	ssyncset.s32 $0xFFFFF086  }
0x25: {  	[simem:s6], [sflag:s4] =	dma.local [hbm:s3], $0xF7A  }
0x26: {  	[smem:$0x3F9D] =	sst s1;
	(tag) =	ssettag s2;
	_ =	strace s9  }
0x27: {  	s1 =	sld [smem:$0x3FAD]  }
0x28: {  	s2 =	sld [smem:$0x3FAE]  }
0x29: {  	s4 =	sld [smem:$0x3FB0]  }
0x2a: {  	p0 =	seq.s32 s5, $0x0;
	s5 =	sld [smem:$0x3FB1]  }
0x2b: {  	s6 =	sld [smem:$0x3FB2]  }
0x2c: {  	s7 =	sld [smem:$0x3FB3]  }
0x2d: {  	s3 =	simm.s32 $0x108;
	s8 =	sld [smem:$0x3FB4]  }
0x2e: {  	s3 =	simm.s32 @!p0 $0x1082;
	s9 =	sld [smem:$0x3FB5]  }
0x2f: {  	lr =	sadd.s32 s0, s3;
	s0 =	sld [smem:$0x3FAC]  }
0x30: {  	s3 =	sld [smem:$0x3FAF]  }
0x31: {  	[smem:$0x3FB8] =	sst s10  }
0x32: {  	s10 =	sld [smem:$0x3FB6];
	_ =	sdelay $0x3  }
0x33: {  	p0 =	seq.s32 s10, $0x1;
	s10 =	sld [smem:$0x3FB8];
	_ =	sdelay $0x3  }
0x34: {  	[smem:$0x3FB8] =	sst s10  }
0x35: {  	s10 =	sld [smem:$0x3FB7];
	_ =	sdelay $0x3  }
0x36: {  	p1 =	seq.s32 s10, $0x1;
	s10 =	sld [smem:$0x3FB8];
	_ =	sdelay $0x3  }
0x37: {  	[smem:$0x3FB8] =	sst s10  }
0x38: {  	s10 =	sld [smem:$0x3FB9]  }
0x39: {  	_ = 	snop;
	(pc) =	sbr.ind lr, $3  }
0x3a: {  	_ = 	snop  }
0x3b: {  	_ = 	snop  }
0x3c: {  	p2 =	seq.s32 s10, $0x1;
	s10 =	sld [smem:$0x3FB8]  }
0x3d: {  	_ =	shalt  }
0x3e: {  	_ =	shalt  }
0x3f: {  	_ =	shalt  }
0x40: {  	_ =	shalt  }
0x41: {  	_ =	shalt  }
0x42: {  	_ =	shalt  }
0x43: {  	_ =	shalt  }
0x44: {  	_ =	shalt  }
0x45: {  	_ =	shalt  }
0x46: {  	_ =	shalt  }
0x47: {  	_ =	shalt  }
0x48: {  	_ =	shalt  }
0x49: {  	_ =	shalt  }
0x4a: {  	_ =	shalt  }
0x4b: {  	_ =	shalt  }
0x4c: {  	_ =	shalt  }
0x4d: {  	_ =	shalt  }
0x4e: {  	_ =	shalt  }
0x4f: {  	_ =	shalt  }
0x50: {  	_ =	shalt  }
0x51: {  	_ =	shalt  }
0x52: {  	_ =	shalt  }
0x53: {  	_ =	shalt  }
0x54: {  	_ =	shalt  }
0x55: {  	_ =	shalt  }
0x56: {  	_ =	shalt  }
0x57: {  	_ =	shalt  }
0x58: {  	_ =	shalt  }
0x59: {  	_ =	shalt  }
0x5a: {  	_ =	shalt  }
0x5b: {  	_ =	shalt  }
0x5c: {  	_ =	shalt  }
0x5d: {  	_ =	shalt  }
0x5e: {  	_ =	shalt  }
0x5f: {  	_ =	shalt  }
0x60: {  	_ =	shalt  }
0x61: {  	_ =	shalt  }
0x62: {  	_ =	shalt  }
0x63: {  	_ =	shalt  }
0x64: {  	_ =	shalt  }
0x65: {  	_ =	shalt  }
0x66: {  	_ =	shalt  }
0x67: {  	_ =	shalt  }
0x68: {  	_ =	shalt  }
0x69: {  	_ =	shalt  }
0x6a: {  	_ =	shalt  }
0x6b: {  	_ =	shalt  }
0x6c: {  	_ =	shalt  }
0x6d: {  	_ =	shalt  }
0x6e: {  	_ =	shalt  }
0x6f: {  	_ =	shalt  }
0x70: {  	_ =	shalt  }
0x71: {  	_ =	shalt  }
0x72: {  	_ =	shalt  }
0x73: {  	_ =	shalt  }
0x74: {  	_ =	shalt  }
0x75: {  	_ =	shalt  }
0x76: {  	_ =	shalt  }
0x77: {  	_ =	shalt  }
0x78: {  	_ =	shalt  }
0x79: {  	_ =	shalt  }
0x7a: {  	_ =	shalt  }
0x7b: {  	_ =	shalt  }
0x7c: {  	_ =	shalt  }
0x7d: {  	_ =	shalt  }
0x7e: {  	_ =	shalt  }
0x7f: {  	_ =	shalt  }
0x80: {  	_ =	shalt  }
0x81: {  	_ =	shalt  }
0x82: {  	_ =	shalt  }
0x83: {  	_ =	shalt  }
0x84: {  	_ =	shalt  }
0x85: {  	_ =	shalt  }
0x86: {  	_ =	shalt  }
0x87: {  	_ =	shalt  }
.Lfunc_end0:
.L_simem_size_0:
called_computation_lowered:
.L_overlay_start_0:
0x88: {  	s2 =	sld [smem:$0x3FD9]  }
0x89: {  	s3 =	sld [smem:$0x3FFE];
	_ =	sdelay $0x1  }
0x8a: {  	s1 =	srdreg.scid  }
0x8b: {  	s0 =	sand.u32 $0x1, s1  }
0x8c: {  	s17 =	sshll.u32 s0, $0xA;
	s2 =	sadd.s32 s3, s2  }
0x8d: {  	s2 =	sadd.s32 s2, s17  }
0x8e: {  	[smem:$0x3FC4] =	sst s2  }
0x8f: {  	_ = 	snop  }
0x90: {  	s2 =	sld [smem:$0x3FD0];
	(tm) =	ssettm $0x1  }
0x91: {  	s18 =	sld [smem:$0x3FFB];
	_ =	sdelay $0x3  }
0x92: {  	_ =	strace s18  }
0x93: {  	s3 =	sld [smem:$0x3FFC];
	_ =	sdelay $0x3  }
0x94: {  	_ =	strace s3  }
0x95: {  	s3 =	sld [smem:$0x3FFD];
	_ =	sdelay $0x3  }
0x96: {  	_ =	strace s3  }
0x97: {  	_ =	strace $0x8FFFFFFF  }
0x98: {  	s19 =	sld [smem:$0x3FDB];
	_ =	sdelay $0x1  }
0x99: {  	s4 =	simm.s32 $_scs_section_size  }
0x9a: {  	s5 =	simm.s32 $_size__tile_overlayer_lowered;
	s6 =	simm.s32 $_tile_overlayer_lowered  }
0x9b: {  	s22 =	simm.s32 $0x1BFF;
	s21 =	sshll.u32 s6, $0x1;
	s3 =	sadd.s32 s4, s19  }
0x9c: {  	s7 =	simm.s32 $0x0;
	s20 =	sshll.u32 s5, $0x1;
	s5 =	sadd.s32 s21, s3  }
0x9d: {  	[timem:s7], [sflag:s22] =	dma.local [hbm:s5], s20  }
0x9e: {  	_ =	swait.ge [sflag:s22], s20  }
0x9f: {  	s4 =	ssub.s32 $0x0, s20;
	[sflag:s22] =	ssyncset.done $0x0  }
0xa0: {  	[sflag:s22] =	ssyncadd.s32 s4;
	_ =	sdelay $0x1  }
0xa1: {  	s23 =	simm.s32 $0x1B8B  }
0xa2: {  	_ =	swait.ge [sflag:s23], $0x1  }
0xa3: {  	[sflag:s23] =	ssyncset.done $0x0  }
0xa4: {  	s25 =	simm.s32 $0x1B8E;
	s24 =	sld [smem:$0x3FFE];
	[sflag:s23] =	ssyncadd.s32 $0xFFFFFFFF  }
0xa5: {  	s26 =	simm.s32 $execute0_lowered;
	[smem:$0x3FD2] =	sst s25  }
0xa6: {  	s5 =	sshll.u32 s26, $0x1;
	_ =	strace $0x80000046;
	[dreg:$0x1] =	wrdreg $0xFFFFFFFF  }
0xa7: {  	s28 =	simm.s32 $_size_execute0_lowered;
	s3 =	sadd.s32 s3, s5;
	[dreg:$0x0] =	wrdreg $0x0  }
0xa8: {  	s5 =	sshll.u32 s28, $0x1;
	[dreg:$0x2] =	wrdreg s3  }
0xa9: {  	[dreg:$0x3] =	wrdreg s5  }
0xaa: {  	[dreg:$0x4] =	wrdreg $0xC0  }
0xab: {  	_ =	task [dreg:s7], $0x5FFFF  }
0xac: {  	[dreg:$0x1] =	wrdreg $0xFFFFFFFF  }
0xad: {  	[dreg:$0x0] =	wrdreg $0x60  }
0xae: {  	[dreg:$0x2] =	wrdreg s2  }
0xaf: {  	[dreg:$0x3] =	wrdreg s24  }
0xb0: {  	[dreg:$0x4] =	wrdreg $0x28800  }
0xb1: {  	[dreg:$0x5] =	wrdreg $0x9  }
0xb2: {  	_ =	task.clear_ibuf [dreg:s7], $0x6FFFF;
	_ =	strace $0x90000046  }
0xb3: {  	s29 =	simm.s32 $0x9;
	_ =	strace $0x80000048  }
0xb4: {  	_ =	swait.ge [sflag:s29], $0x1  }
0xb5: {  	[sflag:s29] =	ssyncadd.s32 $0xFFFFFFFF  }
0xb6: {  	_ =	strace $0x90000048  }
0xb7: {  	_ =	sfence  }
0xb8: {  	s30 =	sld [smem:$0x0];
	_ =	sdelay $0x2  }
0xb9: {  	s31 =	sshll.u32 s1, $0xD;
	s1 =	sshrl.u32 s1, $0x2  }
0xba: {  	s3 =	sand.u32 $0x4000, s31;
	s1 =	sadd.s32 s1, s30  }
0xbb: {  	s0 =	sor.u32 s3, s0;
	s1 =	sshll.u32 s1, $0x11  }
0xbc: {  	s0 =	sor.u32 s1, s0  }
0xbd: {  	s0 =	sadd.s32 $0x8F2B, s0  }
0xbe: {  	[sflag:s0] =	ssyncadd.remote.s32 $0x1  }
0xbf: {  	_ =	sfence.sel $0xFFFF  }
0xc0: {  	[dreg:$0x0] =	wrdreg $0xFFFFFFFF;
	(pc) =	sbr.abs _section_cstart, $3  }
0xc1: {  	[dreg:$0x1] =	wrdreg $0xFFFFFFFF  }
0xc2: {  	_ =	task.clear_ibuf [dreg:s7], $0x2FFFF;
	_ =	strace $0x9FFFFFFF  }
0xc3: {  	(tm) =	ssettm $0x7FFFFFFF  }
tec
execute0_lowered:
.L_overlay_start_1:
0x0: {  	(tag) =	ssettag $0x1  }
0x1: {  	s5 =	rddreg [dreg:$0x0]  }
0x2: {  	s6 =	rddreg [dreg:$0x1]  }
0x3: {  	s1 =	rddreg [dreg:$0x2];
	s2 =	srdreg.scid  }
0x4: {  	s0 =	rddreg [dreg:$0x3];
	s12 =	stileid.u32;
	s14 =	simm.s32 $0x0  }
0x5: {  	s4 =	sand.u32 $0x1, s2;
	s2 =	simm.s32 $0x0;
	s10 =	smul.u32 $0xA00, s12  }
0x6: {  	s31 =	sshll.u32 s12, $0x6;
	p0 =	sne.s32 s12, $0x0;
	s7 =	sshll.u32 s4, $0x4  }
0x7: {  	[smem:$0x7FF] =	sst s2;
	s9 =	ssub.s32 $0x2, s4;
	s4 =	sadd.s32 $0xC800, s6  }
0x8: {  	s13 =	sshrl.u32 @!p0 s1, $0x3;
	s3 =	sor.u32 s12, s7;
	_ =	strace $0x80000047  }
0x9: {  	s29 =	sshrl.u32 s9, $0x1;
	s30 =	sshrl.u32 s10, $0x2;
	s10 =	sor.u32 $0x1C01, s31  }
0xa: {  	s12 =	simm.s32 $0x80;
	s8 =	smul.u32 $0x500, s3;
	s3 =	sadd.s32 $0xC600, s6  }
0xb: {  	s6 =	sadd.s32 s7, s6;
	s7 =	ssub.s32 s9, s29;
	s11 =	sadd.s32 s30, s1  }
0xc: {  	s9 =	simm.s32 $0x2800;
	s6 =	sadd.s32 $0xCA00, s6;
	s7 =	smax.u32 s7, $0x1  }
0xd: {  	s11 =	sshrl.u32 s11, $0x3;
	s5 =	sadd.s32 s5, s8;
	s8 =	simm.s32 $0x1  }
.LBB2_1:
0xe: {  	[tilespmem:s2], [sflag:$0x1] =	stream.linear.gather [hbm4b:s5+s2], $0x2800, $0x38;
	[tilespmem:$0x2B00] =	vst v63  }
0xf: {  	_ =	swait.ge [sflag:s8], $0x2800  }
0x10: {  	[sflag:s8] =	ssyncset.done $0x0  }
0x11: {  	[sflag:s8] =	ssyncadd.s32 $0xFFFFD800  }
0x12: {  	[tilespmem:s9], [sflag:$0x1] =	stream.linear.gather [hbm4b:s3+s2], $0x80, $0x38;
	[tilespmem:$0x2B00] =	vst v63  }
0x13: {  	_ =	swait.ge [sflag:s8], $0x80  }
0x14: {  	[sflag:s8] =	ssyncset.done $0x0  }
0x15: {  	[sflag:s8] =	ssyncadd.s32 $0xFFFFFF80  }
0x16: {  	[spmem:s11], [sflag:s10] =	dma.local [hbm:s4], $0x50  }
0x17: {  	_ =	swait.ge [sflag:s8], $0x50  }
0x18: {  	[sflag:s8] =	ssyncset.done $0x0  }
0x19: {  	[sflag:s8] =	ssyncadd.s32 $0xFFFFFFB0  }
0x1a: {  	s15 =	simm.s32 $0x0;
	[bflag:$0x0] =	sbarrier.arrive $0xFFFF  }
0x1b: {  	[spmem:s1] =	stream.indirect.scatter.add.f32 [tilespmem:s9], [sflag:$0x1], $0x1, s15, s12, $0xb8;
	[tilespmem:$0x2B00] =	vst v63  }
0x1c: {  	_ =	swait.ge [sflag:s8], $0x80  }
0x1d: {  	s15 =	simm.s32 $0x200;
	[sflag:s8] =	ssyncset.done $0x0  }
.LBB2_2:
0x1e: {  	s16 =	sshra.s32 s15, $0x2;
	[sflag:s8] =	ssyncadd.s32 $0xFFFFFF80;
	p1 =	sne.s32 s15, $0x9E00  }
0x1f: {  	[spmem:s1] =	stream.indirect.scatter.add.f32 [tilespmem:s9], [sflag:$0x1], $0x1, s16, s12, $0xb8;
	[tilespmem:$0x2B00] =	vst v63  }
.Ltmp0:
0x20: {  	_ = 	snop;
	(pc) =	sbr.rel @p1 .LBB2_2-.Ltmp0, $4  }
0x21: {  	_ = 	snop  }
0x22: {  	s15 =	sadd.s32 $0x200, s15  }
0x23: {  	_ =	swait.ge [sflag:s8], $0x80  }
0x24: {  	[sflag:s8] =	ssyncset.done $0x0  }
0x25: {  	[sflag:s8] =	ssyncadd.s32 $0xFFFFFF80;
	s14 =	sadd.s32 $0x1, s14  }
0x26: {  	s15 =	simm.s32 @!p0 $0x1;
	s16 =	simm.s32 @!p0 $0x20;
	p1 =	sne.s32 s14, s7  }
.Ltmp1:
0x27: {  	s17 =	simm.s32 @!p0 $0x10;
	[bflag:$0x0] =	sbarrier.arrive $0xFFFF;
	(pc) =	sbr.rel @p1 .LBB2_1-.Ltmp1, $4  }
0x28: {  	[hbm:s6@s16], [sflag:s10] =	dma.strided @!p0 [spmem:s13@s17], $0x500, s15, $0x10   }
0x29: {  	_ =	swait.ge @!p0 [sflag:s15], $0x500  }
0x2a: {  	[sflag:s15] =	ssyncset.done @!p0 $0x0  }
0x2b: {  	[sflag:s15] =	ssyncadd.s32 @!p0 $0xFFFFFB00  }
0x2c: {  	_ =	sfence.sel $0x180000  }
0x2d: {  	[bflag:$0x0] =	sbarrier.arrive $0xFFFF  }
0x2e: {  	_ =	strace $0x90000047  }
0x2f: {  	s0 =	sadd.s32 @!p0 $0x100000, s0;
	[bflag:$0x2] =	sbarrier.arrive $0xFFFF  }
0x30: {  	[sflag:s0] =	ssyncadd.tile.s32 @!p0 $0x1;
	_ =	shalt  }
.Lfunc_end2:
_tile_overlayer_lowered:
.L_overlay_start_2:
0x31: {  	(tag) =	ssettag $0x2  }
0x32: {  	s0 =	rddreg [dreg:$0x0];
	s2 =	stileid.u32  }
0x33: {  	s1 =	rddreg [dreg:$0x1];
	p0 =	sne.s32 s2, $0x0  }
0x34: {  	s3 =	rddreg [dreg:$0x2];
	[bflag:$0x3] =	sbarrier.arrive $0xFFFF;
	s2 =	simm.s32 @!p0 $0x1C01  }
0x35: {  	[timem:s3], [sflag:s2] =	dma.local @!p0 [hbm:s0], s1  }
0x36: {  	s0 =	simm.s32 @!p0 $0x1  }
0x37: {  	_ =	swait.ge @!p0 [sflag:s0], s1  }
0x38: {  	s1 =	ssub.s32 @!p0 $0x0, s1;
	[sflag:s0] =	ssyncset.done @!p0 $0x0  }
0x39: {  	[sflag:s0] =	ssyncadd.s32 @!p0 s1  }
0x3a: {  	[bflag:$0x3] =	sbarrier.arrive $0xFFFF  }
0x3b: {  	_ =	shalt  }

</sc_bundles>
